<compile_context>
chip_gen: v7x
topology: tpu7x:2x2x1
jax: 0.10.2.dev20260603
libtpu: 0.0.44.dev20260713+nightly
codegen_flags: <defaults>
</compile_context>

<pallas_src>
import functools

import jax
import jax.numpy as jnp
from jax import lax
from jax.experimental import pallas as pl
from jax.experimental.pallas import tpu as pltpu
from jax.experimental.pallas import tpu_sc as plsc

N = 10000
N_PAD = 10240
E = 320000
C = 128
NC = 2
NS = 16
K = 80
EDGES_PER_CORE = E // NC
EDGES_PER_TILE = EDGES_PER_CORE // NS
CHUNKS = EDGES_PER_TILE // K
ROWS_PER_TILE = N_PAD // NS


NB = 3
NI = 2 * NB


def _sc_body(xt_hbm, gidx_hbm, ridx_hbm, zrow_hbm, zcnt_hbm,
             sum_out, cnt_out, rows, gvs, rvs, cnt_local,
             acc_sh, gsems, isems):
    c = lax.axis_index("c")
    s = lax.axis_index("s")
    row0 = s * ROWS_PER_TILE
    ones16 = jnp.ones((16,), jnp.float32)
    tile_base = c * EDGES_PER_CORE + s * EDGES_PER_TILE

    pltpu.sync_copy(zcnt_hbm, cnt_local)
    pltpu.sync_copy(zrow_hbm, rows[0])
    for z in range(ROWS_PER_TILE // K):
        zoff = pl.multiple_of(row0 + z * K, 8)
        pltpu.sync_copy(rows[0], acc_sh.at[pl.ds(zoff, K)])

    plsc.subcore_barrier()

    def _start_idx(j, sl):
        base = pl.multiple_of(tile_base + j * K, 8)
        pltpu.async_copy(gidx_hbm.at[pl.ds(base, K)], gvs[sl], isems[sl])
        pltpu.async_copy(ridx_hbm.at[pl.ds(base, K)], rvs[sl], isems[sl])

    def _start_gather(j, sl, q):
        base = pl.multiple_of(tile_base + j * K, 8)
        pltpu.make_async_copy(gidx_hbm.at[pl.ds(base, K)],
                              gvs[sl], isems[sl]).wait()
        pltpu.make_async_copy(ridx_hbm.at[pl.ds(base, K)],
                              rvs[sl], isems[sl]).wait()
        pltpu.async_copy(xt_hbm.at[gvs[sl]], rows[q], gsems[q])

    def _consume(sl, q):
        pltpu.make_async_copy(xt_hbm.at[gvs[sl]], rows[q], gsems[q]).wait()
        pltpu.sync_copy(rows[q], acc_sh.at[rvs[sl]], add=True)
        for i in range(K // 16):
            plsc.addupdate_scatter(cnt_local, [rvs[sl][pl.ds(i * 16, 16)]],
                                   ones16)

    for j in range(NI):
        _start_idx(j, j)
    for j in range(NB):
        _start_gather(j, j, j)

    FULL_GROUPS = (CHUNKS // NI) * NI

    @pl.loop(0, FULL_GROUPS, step=NI)
    def _grp(j0):
        for b in range(NI):
            j = j0 + b
            _consume(b % NI, b % NB)

            @pl.when(j + NI < CHUNKS)
            def _():
                _start_idx(j + NI, b % NI)
            _start_gather(j + NB, (b + NB) % NI, b % NB)

    for j in range(FULL_GROUPS, CHUNKS):
        _consume(j % NI, j % NB)
        if j + NB < CHUNKS:
            _start_gather(j + NB, (j + NB) % NI, (j + NB) % NB)

    plsc.subcore_barrier()

    for z in range(ROWS_PER_TILE // K):
        zoff = pl.multiple_of(row0 + z * K, 8)
        pltpu.sync_copy(acc_sh.at[pl.ds(zoff, K)], rows[0])
        pltpu.sync_copy(rows[0], sum_out.at[c, pl.ds(zoff, K)])
    pltpu.sync_copy(cnt_local, cnt_out.at[c, s])


@functools.cache
def _sc_aggregate_fn():
    mesh = plsc.VectorSubcoreMesh(core_axis_name="c", subcore_axis_name="s",
                                  num_cores=NC, num_subcores=NS)
    return pl.kernel(
        _sc_body,
        out_type=(
            jax.ShapeDtypeStruct((NC, N_PAD, C), jnp.float32),
            jax.ShapeDtypeStruct((NC, NS, N), jnp.float32),
        ),
        mesh=mesh,
        compiler_params=pltpu.CompilerParams(needs_layout_passes=False),
        scratch_types=[
            [pltpu.VMEM((K, C), jnp.float32)] * NB,
            [pltpu.VMEM((K,), jnp.int32)] * NI,
            [pltpu.VMEM((K,), jnp.int32)] * NI,
            pltpu.VMEM((N,), jnp.float32),
            pltpu.VMEM_SHARED((N_PAD, C), jnp.float32),
            [pltpu.SemaphoreType.DMA] * NB,
            [pltpu.SemaphoreType.DMA] * NI,
        ],
    )


def _tc_body(x_ref, s_ref, cnt_ref, wv_ref, bv_ref, wn_ref, bn_ref,
             gm_ref, bt_ref, o_ref):
    x = x_ref[...]
    ssum = s_ref[0, :N, :] + s_ref[1, :N, :]
    cnt_row = jnp.sum(cnt_ref[...], axis=0, keepdims=True)
    denom = jnp.maximum(cnt_row, 1.0)

    aggsum = lax.dot_general(wn_ref[...], ssum, (((1,), (1,)), ((), ())),
                             preferred_element_type=jnp.float32)
    agg = aggsum / denom + jnp.where(cnt_row > 0.0, 1.0, 0.0) * bn_ref[...]

    fv = lax.dot_general(wv_ref[...], x, (((1,), (0,)), ((), ())),
                         preferred_element_type=jnp.float32)
    out = agg + fv + bv_ref[...]

    mu = jnp.mean(out, axis=1, keepdims=True)
    d = out - mu
    var = jnp.mean(d * d, axis=1, keepdims=True)
    out = d * lax.rsqrt(var + 1e-5)
    out = out * gm_ref[...] + bt_ref[...]
    o_ref[...] = jnp.where(out > 0.0, out, 0.3 * out)


_tc_fused = pl.pallas_call(
    _tc_body,
    out_shape=jax.ShapeDtypeStruct((C, N), jnp.float32),
)


def kernel(in_features, reduce_index, gather_index, Wv, bv, Wn, bn, gamma, beta):
    x = in_features[0]
    xt = jnp.transpose(x)
    zrow = jnp.zeros((K, C), jnp.float32)
    zcnt = jnp.zeros((N,), jnp.float32)
    ssum, cntp = _sc_aggregate_fn()(xt, gather_index, reduce_index,
                                    zrow, zcnt)
    out = _tc_fused(x, ssum, cntp.reshape(NC * NS, N), Wv,
                    bv.reshape(C, 1), Wn, bn.reshape(C, 1),
                    gamma.reshape(C, 1), beta.reshape(C, 1))
    return out[None]

# --- scband reference (transcript-rebuilt; emitter-appended) ---
"""Pipeline reference for scband-graph-conv-72060961292432 (READ-ONLY COPY).

The authoritative reference and input builder live on the scoring server;
editing this copy changes nothing except your own understanding.
"""

import jax, jax.numpy as jnp
import numpy as np

N_NODES = 10000
N_EDGES = 320000
C_IN = 128
C_OUT = 128
BATCH = 1


def setup_inputs(seed: int = 0) -> dict:
    key = jax.random.key(seed)
    ks = jax.random.split(key, 10)
    in_features = jax.random.normal(ks[0], (BATCH, C_IN, N_NODES), dtype=jnp.float32)
    reduce_index = jax.random.randint(ks[1], (N_EDGES,), 0, N_NODES, dtype=jnp.int32)
    gather_index = jax.random.randint(ks[2], (N_EDGES,), 0, N_NODES, dtype=jnp.int32)
    # Conv1d(kernel=1) parameters == dense [out, in] weight + bias
    Wv = jax.random.normal(ks[3], (C_OUT, C_IN), dtype=jnp.float32) * (1.0 / np.sqrt(C_IN))
    bv = jax.random.normal(ks[4], (C_OUT,), dtype=jnp.float32) * 0.01
    Wn = jax.random.normal(ks[5], (C_OUT, C_IN), dtype=jnp.float32) * (1.0 / np.sqrt(C_IN))
    bn = jax.random.normal(ks[6], (C_OUT,), dtype=jnp.float32) * 0.01
    gamma = jnp.ones((C_OUT,), dtype=jnp.float32)
    beta = jnp.zeros((C_OUT,), dtype=jnp.float32)
    return {"in_features": in_features, "reduce_index": reduce_index, "gather_index": gather_index,
            "Wv": Wv, "bv": bv, "Wn": Wn, "bn": bn, "gamma": gamma, "beta": beta}


def reference(in_features, reduce_index, gather_index, Wv, bv, Wn, bn, gamma, beta):
    # conv_v and conv_n: 1x1 Conv1d == per-position dense layer over channels
    F_v = jnp.einsum('oi,bin->bon', Wv, in_features) + bv[None, :, None]
    F_n = jnp.einsum('oi,bin->bon', Wn, in_features) + bn[None, :, None]
    # gather neighbor features along node axis: F_n[..., gather_index] -> [B, C, E]
    gathered = F_n[..., gather_index]
    # index_reduce_(-1, reduce_index, ..., reduce='mean', include_self=False):
    # segment mean over edges grouped by destination node; untouched nodes stay 0.
    g = jnp.transpose(gathered, (2, 0, 1))  # [E, B, C]
    sums = jax.ops.segment_sum(g, reduce_index, num_segments=N_NODES)  # [N, B, C]
    cnt = jax.ops.segment_sum(jnp.ones((N_EDGES,), dtype=jnp.float32), reduce_index, num_segments=N_NODES)  # [N]
    mean = sums / jnp.maximum(cnt, 1.0)[:, None, None]  # zero where cnt == 0
    agg = jnp.transpose(mean, (1, 2, 0))  # [B, C, N]
    out = agg + F_v
    # BatchNorm1d (training mode): normalize per channel over (batch, length)
    mu = jnp.mean(out, axis=(0, 2), keepdims=True)
    var = jnp.var(out, axis=(0, 2), keepdims=True)
    out = (out - mu) / jnp.sqrt(var + 1e-5)
    out = out * gamma[None, :, None] + beta[None, :, None]
    # LeakyReLU(0.3)
    return jnp.where(out > 0, out, 0.3 * out)

if __name__ == "__main__":
    import jax
    _d = setup_inputs()
    print(jax.jit(kernel)(*tuple(_d.values())))

</pallas_src>

<mosaic_0001>
#map = affine_map<(d0, d1) -> (0, 0)>
#map1 = affine_map<(d0, d1) -> (0)>
#map2 = affine_map<(d0, d1) -> (0, 0, 0)>
module attributes {stable_mosaic.version = 14 : i64} {
  func.func @_sc_body(%arg0: i32, %arg1: i32, %arg2: memref<10000x128xf32, #tpu.memory_space<hbm>>, %arg3: memref<320000xi32, #tpu.memory_space<hbm>>, %arg4: memref<320000xi32, #tpu.memory_space<hbm>>, %arg5: memref<80x128xf32, #tpu.memory_space<hbm>>, %arg6: memref<10000xf32, #tpu.memory_space<hbm>>, %arg7: memref<2x10240x128xf32, #tpu.memory_space<hbm>>, %arg8: memref<2x16x10000xf32, #tpu.memory_space<hbm>>, %arg9: memref<80x128xf32, #tpu.memory_space<vmem>>, %arg10: memref<80x128xf32, #tpu.memory_space<vmem>>, %arg11: memref<80x128xf32, #tpu.memory_space<vmem>>, %arg12: memref<80xi32, #tpu.memory_space<vmem>>, %arg13: memref<80xi32, #tpu.memory_space<vmem>>, %arg14: memref<80xi32, #tpu.memory_space<vmem>>, %arg15: memref<80xi32, #tpu.memory_space<vmem>>, %arg16: memref<80xi32, #tpu.memory_space<vmem>>, %arg17: memref<80xi32, #tpu.memory_space<vmem>>, %arg18: memref<80xi32, #tpu.memory_space<vmem>>, %arg19: memref<80xi32, #tpu.memory_space<vmem>>, %arg20: memref<80xi32, #tpu.memory_space<vmem>>, %arg21: memref<80xi32, #tpu.memory_space<vmem>>, %arg22: memref<80xi32, #tpu.memory_space<vmem>>, %arg23: memref<80xi32, #tpu.memory_space<vmem>>, %arg24: memref<10000xf32, #tpu.memory_space<vmem>>, %arg25: memref<10240x128xf32, #tpu.memory_space<vmem_shared>>, %arg26: memref<!tpu.dma_semaphore, #tpu.memory_space<semaphore_mem>>, %arg27: memref<!tpu.dma_semaphore, #tpu.memory_space<semaphore_mem>>, %arg28: memref<!tpu.dma_semaphore, #tpu.memory_space<semaphore_mem>>, %arg29: memref<!tpu.dma_semaphore, #tpu.memory_space<semaphore_mem>>, %arg30: memref<!tpu.dma_semaphore, #tpu.memory_space<semaphore_mem>>, %arg31: memref<!tpu.dma_semaphore, #tpu.memory_space<semaphore_mem>>, %arg32: memref<!tpu.dma_semaphore, #tpu.memory_space<semaphore_mem>>, %arg33: memref<!tpu.dma_semaphore, #tpu.memory_space<semaphore_mem>>, %arg34: memref<!tpu.dma_semaphore, #tpu.memory_space<semaphore_mem>>) attributes {dimension_semantics = [#tpu.dimension_semantics<core_parallel>, #tpu.dimension_semantics<subcore_parallel>], iteration_bounds = array<i64: 2, 16>, scalar_prefetch = 0 : i64, scratch_operands = 26 : i64, tpu.core_type = #tpu.core_type<sc_vector_subcore>, window_params = [{transform_indices = #map}, {transform_indices = #map1}, {transform_indices = #map1}, {transform_indices = #map}, {transform_indices = #map1}, {transform_indices = #map2}, {transform_indices = #map2}]} {
    %mul3A = arith.constant 640 : i32
    %mul3A_0 = arith.muli %arg1, %mul3A : i32
    %broadcast_in_dim3A = arith.constant 1.000000e+00 : f32
    %broadcast_in_dim3A_1 = vector.broadcast %broadcast_in_dim3A : f32 to vector<16xf32>
    %mul3A_2 = arith.constant 160000 : i32
    %mul3A_3 = arith.muli %arg0, %mul3A_2 : i32
    %mul3A_4 = arith.constant 10000 : i32
    %mul3A_5 = arith.muli %arg1, %mul3A_4 : i32
    %add3A = arith.addi %mul3A_3, %mul3A_5 : i32
    "tpu.region"() ({
      %run_scoped3A = tpu.sem_alloc : memref<!tpu.dma_semaphore, #tpu.memory_space<semaphore_mem>>
      tpu.enqueue_dma source(%arg6 : memref<10000xf32, #tpu.memory_space<hbm>>) target(%arg24 : memref<10000xf32, #tpu.memory_space<vmem>>) target_semaphore(%run_scoped3A : memref<!tpu.dma_semaphore, #tpu.memory_space<semaphore_mem>>)
      tpu.wait_dma2 semaphore(%run_scoped3A : memref<!tpu.dma_semaphore, #tpu.memory_space<semaphore_mem>>) src(%arg6 : memref<10000xf32, #tpu.memory_space<hbm>>) dst(%arg24 : memref<10000xf32, #tpu.memory_space<vmem>>)
      tpu.yield
    }) : () -> ()
    "tpu.region"() ({
      %run_scoped3A = tpu.sem_alloc : memref<!tpu.dma_semaphore, #tpu.memory_space<semaphore_mem>>
      tpu.enqueue_dma source(%arg5 : memref<80x128xf32, #tpu.memory_space<hbm>>) target(%arg9 : memref<80x128xf32, #tpu.memory_space<vmem>>) target_semaphore(%run_scoped3A : memref<!tpu.dma_semaphore, #tpu.memory_space<semaphore_mem>>)
      tpu.wait_dma2 semaphore(%run_scoped3A : memref<!tpu.dma_semaphore, #tpu.memory_space<semaphore_mem>>) src(%arg5 : memref<80x128xf32, #tpu.memory_space<hbm>>) dst(%arg9 : memref<80x128xf32, #tpu.memory_space<vmem>>)
      tpu.yield
    }) : () -> ()
    %add3A_6 = arith.constant 0 : i32
    %add3A_7 = arith.addi %mul3A_0, %add3A_6 : i32
    %multiple_of3A = tpu.assume_multiple %add3A_7, 8 : i32
    "tpu.region"() ({
      %run_scoped3A = tpu.sem_alloc : memref<!tpu.dma_semaphore, #tpu.memory_space<semaphore_mem>>
      %dma_start3A_212 = arith.constant 0 : i32
      %dma_start3A_213 = tpu.memref_slice %arg25[%multiple_of3A, %dma_start3A_212] : memref<10240x128xf32, #tpu.memory_space<vmem_shared>> -> memref<80x128xf32, #tpu.memory_space<vmem_shared>>
      %dma_start3A_214 = arith.constant 0 : i32
      %dma_start3A_215 = tpu.memref_slice %arg25[%multiple_of3A, %dma_start3A_214] : memref<10240x128xf32, #tpu.memory_space<vmem_shared>> -> memref<80x128xf32, #tpu.memory_space<vmem_shared>>
      tpu.enqueue_dma source(%arg9 : memref<80x128xf32, #tpu.memory_space<vmem>>) target(%dma_start3A_215 : memref<80x128xf32, #tpu.memory_space<vmem_shared>>) target_semaphore(%run_scoped3A : memref<!tpu.dma_semaphore, #tpu.memory_space<semaphore_mem>>)
      %dma_wait3A_216 = arith.constant 0 : i32
      %dma_wait3A_217 = tpu.memref_slice %arg25[%multiple_of3A, %dma_wait3A_216] : memref<10240x128xf32, #tpu.memory_space<vmem_shared>> -> memref<80x128xf32, #tpu.memory_space<vmem_shared>>
      %dma_wait3A_218 = arith.constant 0 : i32
      %dma_wait3A_219 = tpu.memref_slice %arg25[%multiple_of3A, %dma_wait3A_218] : memref<10240x128xf32, #tpu.memory_space<vmem_shared>> -> memref<80x128xf32, #tpu.memory_space<vmem_shared>>
      tpu.wait_dma2 semaphore(%run_scoped3A : memref<!tpu.dma_semaphore, #tpu.memory_space<semaphore_mem>>) src(%arg9 : memref<80x128xf32, #tpu.memory_space<vmem>>) dst(%dma_wait3A_219 : memref<80x128xf32, #tpu.memory_space<vmem_shared>>)
      tpu.yield
    }) : () -> ()
    %add3A_8 = arith.constant 80 : i32
    %add3A_9 = arith.addi %mul3A_0, %add3A_8 : i32
    %multiple_of3A_10 = tpu.assume_multiple %add3A_9, 8 : i32
    "tpu.region"() ({
      %run_scoped3A = tpu.sem_alloc : memref<!tpu.dma_semaphore, #tpu.memory_space<semaphore_mem>>
      %dma_start3A_212 = arith.constant 0 : i32
      %dma_start3A_213 = tpu.memref_slice %arg25[%multiple_of3A_10, %dma_start3A_212] : memref<10240x128xf32, #tpu.memory_space<vmem_shared>> -> memref<80x128xf32, #tpu.memory_space<vmem_shared>>
      %dma_start3A_214 = arith.constant 0 : i32
      %dma_start3A_215 = tpu.memref_slice %arg25[%multiple_of3A_10, %dma_start3A_214] : memref<10240x128xf32, #tpu.memory_space<vmem_shared>> -> memref<80x128xf32, #tpu.memory_space<vmem_shared>>
      tpu.enqueue_dma source(%arg9 : memref<80x128xf32, #tpu.memory_space<vmem>>) target(%dma_start3A_215 : memref<80x128xf32, #tpu.memory_space<vmem_shared>>) target_semaphore(%run_scoped3A : memref<!tpu.dma_semaphore, #tpu.memory_space<semaphore_mem>>)
      %dma_wait3A_216 = arith.constant 0 : i32
      %dma_wait3A_217 = tpu.memref_slice %arg25[%multiple_of3A_10, %dma_wait3A_216] : memref<10240x128xf32, #tpu.memory_space<vmem_shared>> -> memref<80x128xf32, #tpu.memory_space<vmem_shared>>
      %dma_wait3A_218 = arith.constant 0 : i32
      %dma_wait3A_219 = tpu.memref_slice %arg25[%multiple_of3A_10, %dma_wait3A_218] : memref<10240x128xf32, #tpu.memory_space<vmem_shared>> -> memref<80x128xf32, #tpu.memory_space<vmem_shared>>
      tpu.wait_dma2 semaphore(%run_scoped3A : memref<!tpu.dma_semaphore, #tpu.memory_space<semaphore_mem>>) src(%arg9 : memref<80x128xf32, #tpu.memory_space<vmem>>) dst(%dma_wait3A_219 : memref<80x128xf32, #tpu.memory_space<vmem_shared>>)
      tpu.yield
    }) : () -> ()
    %add3A_11 = arith.constant 160 : i32
    %add3A_12 = arith.addi %mul3A_0, %add3A_11 : i32
    %multiple_of3A_13 = tpu.assume_multiple %add3A_12, 8 : i32
    "tpu.region"() ({
      %run_scoped3A = tpu.sem_alloc : memref<!tpu.dma_semaphore, #tpu.memory_space<semaphore_mem>>
      %dma_start3A_212 = arith.constant 0 : i32
      %dma_start3A_213 = tpu.memref_slice %arg25[%multiple_of3A_13, %dma_start3A_212] : memref<10240x128xf32, #tpu.memory_space<vmem_shared>> -> memref<80x128xf32, #tpu.memory_space<vmem_shared>>
      %dma_start3A_214 = arith.constant 0 : i32
      %dma_start3A_215 = tpu.memref_slice %arg25[%multiple_of3A_13, %dma_start3A_214] : memref<10240x128xf32, #tpu.memory_space<vmem_shared>> -> memref<80x128xf32, #tpu.memory_space<vmem_shared>>
      tpu.enqueue_dma source(%arg9 : memref<80x128xf32, #tpu.memory_space<vmem>>) target(%dma_start3A_215 : memref<80x128xf32, #tpu.memory_space<vmem_shared>>) target_semaphore(%run_scoped3A : memref<!tpu.dma_semaphore, #tpu.memory_space<semaphore_mem>>)
      %dma_wait3A_216 = arith.constant 0 : i32
      %dma_wait3A_217 = tpu.memref_slice %arg25[%multiple_of3A_13, %dma_wait3A_216] : memref<10240x128xf32, #tpu.memory_space<vmem_shared>> -> memref<80x128xf32, #tpu.memory_space<vmem_shared>>
      %dma_wait3A_218 = arith.constant 0 : i32
      %dma_wait3A_219 = tpu.memref_slice %arg25[%multiple_of3A_13, %dma_wait3A_218] : memref<10240x128xf32, #tpu.memory_space<vmem_shared>> -> memref<80x128xf32, #tpu.memory_space<vmem_shared>>
      tpu.wait_dma2 semaphore(%run_scoped3A : memref<!tpu.dma_semaphore, #tpu.memory_space<semaphore_mem>>) src(%arg9 : memref<80x128xf32, #tpu.memory_space<vmem>>) dst(%dma_wait3A_219 : memref<80x128xf32, #tpu.memory_space<vmem_shared>>)
      tpu.yield
    }) : () -> ()
    %add3A_14 = arith.constant 240 : i32
    %add3A_15 = arith.addi %mul3A_0, %add3A_14 : i32
    %multiple_of3A_16 = tpu.assume_multiple %add3A_15, 8 : i32
    "tpu.region"() ({
      %run_scoped3A = tpu.sem_alloc : memref<!tpu.dma_semaphore, #tpu.memory_space<semaphore_mem>>
      %dma_start3A_212 = arith.constant 0 : i32
      %dma_start3A_213 = tpu.memref_slice %arg25[%multiple_of3A_16, %dma_start3A_212] : memref<10240x128xf32, #tpu.memory_space<vmem_shared>> -> memref<80x128xf32, #tpu.memory_space<vmem_shared>>
      %dma_start3A_214 = arith.constant 0 : i32
      %dma_start3A_215 = tpu.memref_slice %arg25[%multiple_of3A_16, %dma_start3A_214] : memref<10240x128xf32, #tpu.memory_space<vmem_shared>> -> memref<80x128xf32, #tpu.memory_space<vmem_shared>>
      tpu.enqueue_dma source(%arg9 : memref<80x128xf32, #tpu.memory_space<vmem>>) target(%dma_start3A_215 : memref<80x128xf32, #tpu.memory_space<vmem_shared>>) target_semaphore(%run_scoped3A : memref<!tpu.dma_semaphore, #tpu.memory_space<semaphore_mem>>)
      %dma_wait3A_216 = arith.constant 0 : i32
      %dma_wait3A_217 = tpu.memref_slice %arg25[%multiple_of3A_16, %dma_wait3A_216] : memref<10240x128xf32, #tpu.memory_space<vmem_shared>> -> memref<80x128xf32, #tpu.memory_space<vmem_shared>>
      %dma_wait3A_218 = arith.constant 0 : i32
      %dma_wait3A_219 = tpu.memref_slice %arg25[%multiple_of3A_16, %dma_wait3A_218] : memref<10240x128xf32, #tpu.memory_space<vmem_shared>> -> memref<80x128xf32, #tpu.memory_space<vmem_shared>>
      tpu.wait_dma2 semaphore(%run_scoped3A : memref<!tpu.dma_semaphore, #tpu.memory_space<semaphore_mem>>) src(%arg9 : memref<80x128xf32, #tpu.memory_space<vmem>>) dst(%dma_wait3A_219 : memref<80x128xf32, #tpu.memory_space<vmem_shared>>)
      tpu.yield
    }) : () -> ()
    %add3A_17 = arith.constant 320 : i32
    %add3A_18 = arith.addi %mul3A_0, %add3A_17 : i32
    %multiple_of3A_19 = tpu.assume_multiple %add3A_18, 8 : i32
    "tpu.region"() ({
      %run_scoped3A = tpu.sem_alloc : memref<!tpu.dma_semaphore, #tpu.memory_space<semaphore_mem>>
      %dma_start3A_212 = arith.constant 0 : i32
      %dma_start3A_213 = tpu.memref_slice %arg25[%multiple_of3A_19, %dma_start3A_212] : memref<10240x128xf32, #tpu.memory_space<vmem_shared>> -> memref<80x128xf32, #tpu.memory_space<vmem_shared>>
      %dma_start3A_214 = arith.constant 0 : i32
      %dma_start3A_215 = tpu.memref_slice %arg25[%multiple_of3A_19, %dma_start3A_214] : memref<10240x128xf32, #tpu.memory_space<vmem_shared>> -> memref<80x128xf32, #tpu.memory_space<vmem_shared>>
      tpu.enqueue_dma source(%arg9 : memref<80x128xf32, #tpu.memory_space<vmem>>) target(%dma_start3A_215 : memref<80x128xf32, #tpu.memory_space<vmem_shared>>) target_semaphore(%run_scoped3A : memref<!tpu.dma_semaphore, #tpu.memory_space<semaphore_mem>>)
      %dma_wait3A_216 = arith.constant 0 : i32
      %dma_wait3A_217 = tpu.memref_slice %arg25[%multiple_of3A_19, %dma_wait3A_216] : memref<10240x128xf32, #tpu.memory_space<vmem_shared>> -> memref<80x128xf32, #tpu.memory_space<vmem_shared>>
      %dma_wait3A_218 = arith.constant 0 : i32
      %dma_wait3A_219 = tpu.memref_slice %arg25[%multiple_of3A_19, %dma_wait3A_218] : memref<10240x128xf32, #tpu.memory_space<vmem_shared>> -> memref<80x128xf32, #tpu.memory_space<vmem_shared>>
      tpu.wait_dma2 semaphore(%run_scoped3A : memref<!tpu.dma_semaphore, #tpu.memory_space<semaphore_mem>>) src(%arg9 : memref<80x128xf32, #tpu.memory_space<vmem>>) dst(%dma_wait3A_219 : memref<80x128xf32, #tpu.memory_space<vmem_shared>>)
      tpu.yield
    }) : () -> ()
    %add3A_20 = arith.constant 400 : i32
    %add3A_21 = arith.addi %mul3A_0, %add3A_20 : i32
    %multiple_of3A_22 = tpu.assume_multiple %add3A_21, 8 : i32
    "tpu.region"() ({
      %run_scoped3A = tpu.sem_alloc : memref<!tpu.dma_semaphore, #tpu.memory_space<semaphore_mem>>
      %dma_start3A_212 = arith.constant 0 : i32
      %dma_start3A_213 = tpu.memref_slice %arg25[%multiple_of3A_22, %dma_start3A_212] : memref<10240x128xf32, #tpu.memory_space<vmem_shared>> -> memref<80x128xf32, #tpu.memory_space<vmem_shared>>
      %dma_start3A_214 = arith.constant 0 : i32
      %dma_start3A_215 = tpu.memref_slice %arg25[%multiple_of3A_22, %dma_start3A_214] : memref<10240x128xf32, #tpu.memory_space<vmem_shared>> -> memref<80x128xf32, #tpu.memory_space<vmem_shared>>
      tpu.enqueue_dma source(%arg9 : memref<80x128xf32, #tpu.memory_space<vmem>>) target(%dma_start3A_215 : memref<80x128xf32, #tpu.memory_space<vmem_shared>>) target_semaphore(%run_scoped3A : memref<!tpu.dma_semaphore, #tpu.memory_space<semaphore_mem>>)
      %dma_wait3A_216 = arith.constant 0 : i32
      %dma_wait3A_217 = tpu.memref_slice %arg25[%multiple_of3A_22, %dma_wait3A_216] : memref<10240x128xf32, #tpu.memory_space<vmem_shared>> -> memref<80x128xf32, #tpu.memory_space<vmem_shared>>
      %dma_wait3A_218 = arith.constant 0 : i32
      %dma_wait3A_219 = tpu.memref_slice %arg25[%multiple_of3A_22, %dma_wait3A_218] : memref<10240x128xf32, #tpu.memory_space<vmem_shared>> -> memref<80x128xf32, #tpu.memory_space<vmem_shared>>
      tpu.wait_dma2 semaphore(%run_scoped3A : memref<!tpu.dma_semaphore, #tpu.memory_space<semaphore_mem>>) src(%arg9 : memref<80x128xf32, #tpu.memory_space<vmem>>) dst(%dma_wait3A_219 : memref<80x128xf32, #tpu.memory_space<vmem_shared>>)
      tpu.yield
    }) : () -> ()
    %add3A_23 = arith.constant 480 : i32
    %add3A_24 = arith.addi %mul3A_0, %add3A_23 : i32
    %multiple_of3A_25 = tpu.assume_multiple %add3A_24, 8 : i32
    "tpu.region"() ({
      %run_scoped3A = tpu.sem_alloc : memref<!tpu.dma_semaphore, #tpu.memory_space<semaphore_mem>>
      %dma_start3A_212 = arith.constant 0 : i32
      %dma_start3A_213 = tpu.memref_slice %arg25[%multiple_of3A_25, %dma_start3A_212] : memref<10240x128xf32, #tpu.memory_space<vmem_shared>> -> memref<80x128xf32, #tpu.memory_space<vmem_shared>>
      %dma_start3A_214 = arith.constant 0 : i32
      %dma_start3A_215 = tpu.memref_slice %arg25[%multiple_of3A_25, %dma_start3A_214] : memref<10240x128xf32, #tpu.memory_space<vmem_shared>> -> memref<80x128xf32, #tpu.memory_space<vmem_shared>>
      tpu.enqueue_dma source(%arg9 : memref<80x128xf32, #tpu.memory_space<vmem>>) target(%dma_start3A_215 : memref<80x128xf32, #tpu.memory_space<vmem_shared>>) target_semaphore(%run_scoped3A : memref<!tpu.dma_semaphore, #tpu.memory_space<semaphore_mem>>)
      %dma_wait3A_216 = arith.constant 0 : i32
      %dma_wait3A_217 = tpu.memref_slice %arg25[%multiple_of3A_25, %dma_wait3A_216] : memref<10240x128xf32, #tpu.memory_space<vmem_shared>> -> memref<80x128xf32, #tpu.memory_space<vmem_shared>>
      %dma_wait3A_218 = arith.constant 0 : i32
      %dma_wait3A_219 = tpu.memref_slice %arg25[%multiple_of3A_25, %dma_wait3A_218] : memref<10240x128xf32, #tpu.memory_space<vmem_shared>> -> memref<80x128xf32, #tpu.memory_space<vmem_shared>>
      tpu.wait_dma2 semaphore(%run_scoped3A : memref<!tpu.dma_semaphore, #tpu.memory_space<semaphore_mem>>) src(%arg9 : memref<80x128xf32, #tpu.memory_space<vmem>>) dst(%dma_wait3A_219 : memref<80x128xf32, #tpu.memory_space<vmem_shared>>)
      tpu.yield
    }) : () -> ()
    %add3A_26 = arith.constant 560 : i32
    %add3A_27 = arith.addi %mul3A_0, %add3A_26 : i32
    %multiple_of3A_28 = tpu.assume_multiple %add3A_27, 8 : i32
    "tpu.region"() ({
      %run_scoped3A = tpu.sem_alloc : memref<!tpu.dma_semaphore, #tpu.memory_space<semaphore_mem>>
      %dma_start3A_212 = arith.constant 0 : i32
      %dma_start3A_213 = tpu.memref_slice %arg25[%multiple_of3A_28, %dma_start3A_212] : memref<10240x128xf32, #tpu.memory_space<vmem_shared>> -> memref<80x128xf32, #tpu.memory_space<vmem_shared>>
      %dma_start3A_214 = arith.constant 0 : i32
      %dma_start3A_215 = tpu.memref_slice %arg25[%multiple_of3A_28, %dma_start3A_214] : memref<10240x128xf32, #tpu.memory_space<vmem_shared>> -> memref<80x128xf32, #tpu.memory_space<vmem_shared>>
      tpu.enqueue_dma source(%arg9 : memref<80x128xf32, #tpu.memory_space<vmem>>) target(%dma_start3A_215 : memref<80x128xf32, #tpu.memory_space<vmem_shared>>) target_semaphore(%run_scoped3A : memref<!tpu.dma_semaphore, #tpu.memory_space<semaphore_mem>>)
      %dma_wait3A_216 = arith.constant 0 : i32
      %dma_wait3A_217 = tpu.memref_slice %arg25[%multiple_of3A_28, %dma_wait3A_216] : memref<10240x128xf32, #tpu.memory_space<vmem_shared>> -> memref<80x128xf32, #tpu.memory_space<vmem_shared>>
      %dma_wait3A_218 = arith.constant 0 : i32
      %dma_wait3A_219 = tpu.memref_slice %arg25[%multiple_of3A_28, %dma_wait3A_218] : memref<10240x128xf32, #tpu.memory_space<vmem_shared>> -> memref<80x128xf32, #tpu.memory_space<vmem_shared>>
      tpu.wait_dma2 semaphore(%run_scoped3A : memref<!tpu.dma_semaphore, #tpu.memory_space<semaphore_mem>>) src(%arg9 : memref<80x128xf32, #tpu.memory_space<vmem>>) dst(%dma_wait3A_219 : memref<80x128xf32, #tpu.memory_space<vmem_shared>>)
      tpu.yield
    }) : () -> ()
    %barrier3A = arith.constant 0 : index
    tpu.barrier barrier_id(%barrier3A)
    %add3A_29 = arith.constant 0 : i32
    %add3A_30 = arith.addi %add3A, %add3A_29 : i32
    %multiple_of3A_31 = tpu.assume_multiple %add3A_30, 8 : i32
    %dma_start3A = tpu.memref_slice %arg3[%multiple_of3A_31] : memref<320000xi32, #tpu.memory_space<hbm>> -> memref<80xi32, #tpu.memory_space<hbm>>
    %dma_start3A_32 = tpu.memref_slice %arg3[%multiple_of3A_31] : memref<320000xi32, #tpu.memory_space<hbm>> -> memref<80xi32, #tpu.memory_space<hbm>>
    tpu.enqueue_dma source(%dma_start3A_32 : memref<80xi32, #tpu.memory_space<hbm>>) target(%arg12 : memref<80xi32, #tpu.memory_space<vmem>>) target_semaphore(%arg29 : memref<!tpu.dma_semaphore, #tpu.memory_space<semaphore_mem>>)
    %dma_start3A_33 = tpu.memref_slice %arg4[%multiple_of3A_31] : memref<320000xi32, #tpu.memory_space<hbm>> -> memref<80xi32, #tpu.memory_space<hbm>>
    %dma_start3A_34 = tpu.memref_slice %arg4[%multiple_of3A_31] : memref<320000xi32, #tpu.memory_space<hbm>> -> memref<80xi32, #tpu.memory_space<hbm>>
    tpu.enqueue_dma source(%dma_start3A_34 : memref<80xi32, #tpu.memory_space<hbm>>) target(%arg18 : memref<80xi32, #tpu.memory_space<vmem>>) target_semaphore(%arg29 : memref<!tpu.dma_semaphore, #tpu.memory_space<semaphore_mem>>)
    %add3A_35 = arith.constant 80 : i32
    %add3A_36 = arith.addi %add3A, %add3A_35 : i32
    %multiple_of3A_37 = tpu.assume_multiple %add3A_36, 8 : i32
    %dma_start3A_38 = tpu.memref_slice %arg3[%multiple_of3A_37] : memref<320000xi32, #tpu.memory_space<hbm>> -> memref<80xi32, #tpu.memory_space<hbm>>
    %dma_start3A_39 = tpu.memref_slice %arg3[%multiple_of3A_37] : memref<320000xi32, #tpu.memory_space<hbm>> -> memref<80xi32, #tpu.memory_space<hbm>>
    tpu.enqueue_dma source(%dma_start3A_39 : memref<80xi32, #tpu.memory_space<hbm>>) target(%arg13 : memref<80xi32, #tpu.memory_space<vmem>>) target_semaphore(%arg30 : memref<!tpu.dma_semaphore, #tpu.memory_space<semaphore_mem>>)
    %dma_start3A_40 = tpu.memref_slice %arg4[%multiple_of3A_37] : memref<320000xi32, #tpu.memory_space<hbm>> -> memref<80xi32, #tpu.memory_space<hbm>>
    %dma_start3A_41 = tpu.memref_slice %arg4[%multiple_of3A_37] : memref<320000xi32, #tpu.memory_space<hbm>> -> memref<80xi32, #tpu.memory_space<hbm>>
    tpu.enqueue_dma source(%dma_start3A_41 : memref<80xi32, #tpu.memory_space<hbm>>) target(%arg19 : memref<80xi32, #tpu.memory_space<vmem>>) target_semaphore(%arg30 : memref<!tpu.dma_semaphore, #tpu.memory_space<semaphore_mem>>)
    %add3A_42 = arith.constant 160 : i32
    %add3A_43 = arith.addi %add3A, %add3A_42 : i32
    %multiple_of3A_44 = tpu.assume_multiple %add3A_43, 8 : i32
    %dma_start3A_45 = tpu.memref_slice %arg3[%multiple_of3A_44] : memref<320000xi32, #tpu.memory_space<hbm>> -> memref<80xi32, #tpu.memory_space<hbm>>
    %dma_start3A_46 = tpu.memref_slice %arg3[%multiple_of3A_44] : memref<320000xi32, #tpu.memory_space<hbm>> -> memref<80xi32, #tpu.memory_space<hbm>>
    tpu.enqueue_dma source(%dma_start3A_46 : memref<80xi32, #tpu.memory_space<hbm>>) target(%arg14 : memref<80xi32, #tpu.memory_space<vmem>>) target_semaphore(%arg31 : memref<!tpu.dma_semaphore, #tpu.memory_space<semaphore_mem>>)
    %dma_start3A_47 = tpu.memref_slice %arg4[%multiple_of3A_44] : memref<320000xi32, #tpu.memory_space<hbm>> -> memref<80xi32, #tpu.memory_space<hbm>>
    %dma_start3A_48 = tpu.memref_slice %arg4[%multiple_of3A_44] : memref<320000xi32, #tpu.memory_space<hbm>> -> memref<80xi32, #tpu.memory_space<hbm>>
    tpu.enqueue_dma source(%dma_start3A_48 : memref<80xi32, #tpu.memory_space<hbm>>) target(%arg20 : memref<80xi32, #tpu.memory_space<vmem>>) target_semaphore(%arg31 : memref<!tpu.dma_semaphore, #tpu.memory_space<semaphore_mem>>)
    %add3A_49 = arith.constant 240 : i32
    %add3A_50 = arith.addi %add3A, %add3A_49 : i32
    %multiple_of3A_51 = tpu.assume_multiple %add3A_50, 8 : i32
    %dma_start3A_52 = tpu.memref_slice %arg3[%multiple_of3A_51] : memref<320000xi32, #tpu.memory_space<hbm>> -> memref<80xi32, #tpu.memory_space<hbm>>
    %dma_start3A_53 = tpu.memref_slice %arg3[%multiple_of3A_51] : memref<320000xi32, #tpu.memory_space<hbm>> -> memref<80xi32, #tpu.memory_space<hbm>>
    tpu.enqueue_dma source(%dma_start3A_53 : memref<80xi32, #tpu.memory_space<hbm>>) target(%arg15 : memref<80xi32, #tpu.memory_space<vmem>>) target_semaphore(%arg32 : memref<!tpu.dma_semaphore, #tpu.memory_space<semaphore_mem>>)
    %dma_start3A_54 = tpu.memref_slice %arg4[%multiple_of3A_51] : memref<320000xi32, #tpu.memory_space<hbm>> -> memref<80xi32, #tpu.memory_space<hbm>>
    %dma_start3A_55 = tpu.memref_slice %arg4[%multiple_of3A_51] : memref<320000xi32, #tpu.memory_space<hbm>> -> memref<80xi32, #tpu.memory_space<hbm>>
    tpu.enqueue_dma source(%dma_start3A_55 : memref<80xi32, #tpu.memory_space<hbm>>) target(%arg21 : memref<80xi32, #tpu.memory_space<vmem>>) target_semaphore(%arg32 : memref<!tpu.dma_semaphore, #tpu.memory_space<semaphore_mem>>)
    %add3A_56 = arith.constant 320 : i32
    %add3A_57 = arith.addi %add3A, %add3A_56 : i32
    %multiple_of3A_58 = tpu.assume_multiple %add3A_57, 8 : i32
    %dma_start3A_59 = tpu.memref_slice %arg3[%multiple_of3A_58] : memref<320000xi32, #tpu.memory_space<hbm>> -> memref<80xi32, #tpu.memory_space<hbm>>
    %dma_start3A_60 = tpu.memref_slice %arg3[%multiple_of3A_58] : memref<320000xi32, #tpu.memory_space<hbm>> -> memref<80xi32, #tpu.memory_space<hbm>>
    tpu.enqueue_dma source(%dma_start3A_60 : memref<80xi32, #tpu.memory_space<hbm>>) target(%arg16 : memref<80xi32, #tpu.memory_space<vmem>>) target_semaphore(%arg33 : memref<!tpu.dma_semaphore, #tpu.memory_space<semaphore_mem>>)
    %dma_start3A_61 = tpu.memref_slice %arg4[%multiple_of3A_58] : memref<320000xi32, #tpu.memory_space<hbm>> -> memref<80xi32, #tpu.memory_space<hbm>>
    %dma_start3A_62 = tpu.memref_slice %arg4[%multiple_of3A_58] : memref<320000xi32, #tpu.memory_space<hbm>> -> memref<80xi32, #tpu.memory_space<hbm>>
    tpu.enqueue_dma source(%dma_start3A_62 : memref<80xi32, #tpu.memory_space<hbm>>) target(%arg22 : memref<80xi32, #tpu.memory_space<vmem>>) target_semaphore(%arg33 : memref<!tpu.dma_semaphore, #tpu.memory_space<semaphore_mem>>)
    %add3A_63 = arith.constant 400 : i32
    %add3A_64 = arith.addi %add3A, %add3A_63 : i32
    %multiple_of3A_65 = tpu.assume_multiple %add3A_64, 8 : i32
    %dma_start3A_66 = tpu.memref_slice %arg3[%multiple_of3A_65] : memref<320000xi32, #tpu.memory_space<hbm>> -> memref<80xi32, #tpu.memory_space<hbm>>
    %dma_start3A_67 = tpu.memref_slice %arg3[%multiple_of3A_65] : memref<320000xi32, #tpu.memory_space<hbm>> -> memref<80xi32, #tpu.memory_space<hbm>>
    tpu.enqueue_dma source(%dma_start3A_67 : memref<80xi32, #tpu.memory_space<hbm>>) target(%arg17 : memref<80xi32, #tpu.memory_space<vmem>>) target_semaphore(%arg34 : memref<!tpu.dma_semaphore, #tpu.memory_space<semaphore_mem>>)
    %dma_start3A_68 = tpu.memref_slice %arg4[%multiple_of3A_65] : memref<320000xi32, #tpu.memory_space<hbm>> -> memref<80xi32, #tpu.memory_space<hbm>>
    %dma_start3A_69 = tpu.memref_slice %arg4[%multiple_of3A_65] : memref<320000xi32, #tpu.memory_space<hbm>> -> memref<80xi32, #tpu.memory_space<hbm>>
    tpu.enqueue_dma source(%dma_start3A_69 : memref<80xi32, #tpu.memory_space<hbm>>) target(%arg23 : memref<80xi32, #tpu.memory_space<vmem>>) target_semaphore(%arg34 : memref<!tpu.dma_semaphore, #tpu.memory_space<semaphore_mem>>)
    %add3A_70 = arith.constant 0 : i32
    %add3A_71 = arith.addi %add3A, %add3A_70 : i32
    %multiple_of3A_72 = tpu.assume_multiple %add3A_71, 8 : i32
    %dma_wait3A = tpu.memref_slice %arg3[%multiple_of3A_72] : memref<320000xi32, #tpu.memory_space<hbm>> -> memref<80xi32, #tpu.memory_space<hbm>>
    %dma_wait3A_73 = tpu.memref_slice %arg3[%multiple_of3A_72] : memref<320000xi32, #tpu.memory_space<hbm>> -> memref<80xi32, #tpu.memory_space<hbm>>
    tpu.wait_dma2 semaphore(%arg29 : memref<!tpu.dma_semaphore, #tpu.memory_space<semaphore_mem>>) src(%dma_wait3A_73 : memref<80xi32, #tpu.memory_space<hbm>>) dst(%arg12 : memref<80xi32, #tpu.memory_space<vmem>>)
    %dma_wait3A_74 = tpu.memref_slice %arg4[%multiple_of3A_72] : memref<320000xi32, #tpu.memory_space<hbm>> -> memref<80xi32, #tpu.memory_space<hbm>>
    %dma_wait3A_75 = tpu.memref_slice %arg4[%multiple_of3A_72] : memref<320000xi32, #tpu.memory_space<hbm>> -> memref<80xi32, #tpu.memory_space<hbm>>
    tpu.wait_dma2 semaphore(%arg29 : memref<!tpu.dma_semaphore, #tpu.memory_space<semaphore_mem>>) src(%dma_wait3A_75 : memref<80xi32, #tpu.memory_space<hbm>>) dst(%arg18 : memref<80xi32, #tpu.memory_space<vmem>>)
    %dma_start3A_76 = arith.constant 0 : i32
    %dma_start3A_77 = arith.constant 0 : i32
    %dma_start3A_78 = tpu.memref_slice %arg2[%dma_start3A_76, %dma_start3A_77] : memref<10000x128xf32, #tpu.memory_space<hbm>> -> memref<10000x128xf32, #tpu.memory_space<hbm>>
    tpu.enqueue_indirect_dma source(%dma_start3A_78 : memref<10000x128xf32, #tpu.memory_space<hbm>>) target(%arg9 : memref<80x128xf32, #tpu.memory_space<vmem>>) offsets(%arg12 : memref<80xi32, #tpu.memory_space<vmem>>) semaphore(%arg26 : memref<!tpu.dma_semaphore, #tpu.memory_space<semaphore_mem>>)
    %add3A_79 = arith.constant 80 : i32
    %add3A_80 = arith.addi %add3A, %add3A_79 : i32
    %multiple_of3A_81 = tpu.assume_multiple %add3A_80, 8 : i32
    %dma_wait3A_82 = tpu.memref_slice %arg3[%multiple_of3A_81] : memref<320000xi32, #tpu.memory_space<hbm>> -> memref<80xi32, #tpu.memory_space<hbm>>
    %dma_wait3A_83 = tpu.memref_slice %arg3[%multiple_of3A_81] : memref<320000xi32, #tpu.memory_space<hbm>> -> memref<80xi32, #tpu.memory_space<hbm>>
    tpu.wait_dma2 semaphore(%arg30 : memref<!tpu.dma_semaphore, #tpu.memory_space<semaphore_mem>>) src(%dma_wait3A_83 : memref<80xi32, #tpu.memory_space<hbm>>) dst(%arg13 : memref<80xi32, #tpu.memory_space<vmem>>)
    %dma_wait3A_84 = tpu.memref_slice %arg4[%multiple_of3A_81] : memref<320000xi32, #tpu.memory_space<hbm>> -> memref<80xi32, #tpu.memory_space<hbm>>
    %dma_wait3A_85 = tpu.memref_slice %arg4[%multiple_of3A_81] : memref<320000xi32, #tpu.memory_space<hbm>> -> memref<80xi32, #tpu.memory_space<hbm>>
    tpu.wait_dma2 semaphore(%arg30 : memref<!tpu.dma_semaphore, #tpu.memory_space<semaphore_mem>>) src(%dma_wait3A_85 : memref<80xi32, #tpu.memory_space<hbm>>) dst(%arg19 : memref<80xi32, #tpu.memory_space<vmem>>)
    %dma_start3A_86 = arith.constant 0 : i32
    %dma_start3A_87 = arith.constant 0 : i32
    %dma_start3A_88 = tpu.memref_slice %arg2[%dma_start3A_86, %dma_start3A_87] : memref<10000x128xf32, #tpu.memory_space<hbm>> -> memref<10000x128xf32, #tpu.memory_space<hbm>>
    tpu.enqueue_indirect_dma source(%dma_start3A_88 : memref<10000x128xf32, #tpu.memory_space<hbm>>) target(%arg10 : memref<80x128xf32, #tpu.memory_space<vmem>>) offsets(%arg13 : memref<80xi32, #tpu.memory_space<vmem>>) semaphore(%arg27 : memref<!tpu.dma_semaphore, #tpu.memory_space<semaphore_mem>>)
    %add3A_89 = arith.constant 160 : i32
    %add3A_90 = arith.addi %add3A, %add3A_89 : i32
    %multiple_of3A_91 = tpu.assume_multiple %add3A_90, 8 : i32
    %dma_wait3A_92 = tpu.memref_slice %arg3[%multiple_of3A_91] : memref<320000xi32, #tpu.memory_space<hbm>> -> memref<80xi32, #tpu.memory_space<hbm>>
    %dma_wait3A_93 = tpu.memref_slice %arg3[%multiple_of3A_91] : memref<320000xi32, #tpu.memory_space<hbm>> -> memref<80xi32, #tpu.memory_space<hbm>>
    tpu.wait_dma2 semaphore(%arg31 : memref<!tpu.dma_semaphore, #tpu.memory_space<semaphore_mem>>) src(%dma_wait3A_93 : memref<80xi32, #tpu.memory_space<hbm>>) dst(%arg14 : memref<80xi32, #tpu.memory_space<vmem>>)
    %dma_wait3A_94 = tpu.memref_slice %arg4[%multiple_of3A_91] : memref<320000xi32, #tpu.memory_space<hbm>> -> memref<80xi32, #tpu.memory_space<hbm>>
    %dma_wait3A_95 = tpu.memref_slice %arg4[%multiple_of3A_91] : memref<320000xi32, #tpu.memory_space<hbm>> -> memref<80xi32, #tpu.memory_space<hbm>>
    tpu.wait_dma2 semaphore(%arg31 : memref<!tpu.dma_semaphore, #tpu.memory_space<semaphore_mem>>) src(%dma_wait3A_95 : memref<80xi32, #tpu.memory_space<hbm>>) dst(%arg20 : memref<80xi32, #tpu.memory_space<vmem>>)
    %dma_start3A_96 = arith.constant 0 : i32
    %dma_start3A_97 = arith.constant 0 : i32
    %dma_start3A_98 = tpu.memref_slice %arg2[%dma_start3A_96, %dma_start3A_97] : memref<10000x128xf32, #tpu.memory_space<hbm>> -> memref<10000x128xf32, #tpu.memory_space<hbm>>
    tpu.enqueue_indirect_dma source(%dma_start3A_98 : memref<10000x128xf32, #tpu.memory_space<hbm>>) target(%arg11 : memref<80x128xf32, #tpu.memory_space<vmem>>) offsets(%arg14 : memref<80xi32, #tpu.memory_space<vmem>>) semaphore(%arg28 : memref<!tpu.dma_semaphore, #tpu.memory_space<semaphore_mem>>)
    %scan3A = arith.constant 0 : i32
    %scan3A_99 = arith.constant 20 : i32
    %scan3A_100 = arith.addi %scan3A, %scan3A_99 : i32
    %scan3A_101 = arith.constant 1 : i32
    scf.for %scan3A_212 = %scan3A to %scan3A_100 step %scan3A_101  : i32 {
      %mul3A_213 = arith.constant 6 : i32
      %mul3A_214 = arith.muli %scan3A_212, %mul3A_213 : i32
      %add3A_215 = arith.constant 0 : i32
      %add3A_216 = arith.addi %add3A_215, %mul3A_214 : i32
      %add3A_217 = arith.constant 0 : i32
      %add3A_218 = arith.addi %add3A_216, %add3A_217 : i32
      %dma_wait3A_219 = arith.constant 0 : i32
      %dma_wait3A_220 = arith.constant 0 : i32
      %dma_wait3A_221 = tpu.memref_slice %arg2[%dma_wait3A_219, %dma_wait3A_220] : memref<10000x128xf32, #tpu.memory_space<hbm>> -> memref<10000x128xf32, #tpu.memory_space<hbm>>
      tpu.wait_indirect_dma semaphore(%arg26 : memref<!tpu.dma_semaphore, #tpu.memory_space<semaphore_mem>>) src(%dma_wait3A_221 : memref<10000x128xf32, #tpu.memory_space<hbm>>) dst(%arg9 : memref<80x128xf32, #tpu.memory_space<vmem>>)
      "tpu.region"() ({
        %run_scoped3A = tpu.sem_alloc : memref<!tpu.dma_semaphore, #tpu.memory_space<semaphore_mem>>
        %dma_start3A_424 = arith.constant 0 : i32
        %dma_start3A_425 = arith.constant 0 : i32
        %dma_start3A_426 = tpu.memref_slice %arg25[%dma_start3A_424, %dma_start3A_425] : memref<10240x128xf32, #tpu.memory_space<vmem_shared>> -> memref<10240x128xf32, #tpu.memory_space<vmem_shared>>
        tpu.enqueue_indirect_dma source(%arg9 : memref<80x128xf32, #tpu.memory_space<vmem>>) target(%dma_start3A_426 : memref<10240x128xf32, #tpu.memory_space<vmem_shared>>) offsets(%arg18 : memref<80xi32, #tpu.memory_space<vmem>>) semaphore(%run_scoped3A : memref<!tpu.dma_semaphore, #tpu.memory_space<semaphore_mem>>) {add = true}
        %dma_wait3A_427 = arith.constant 0 : i32
        %dma_wait3A_428 = arith.constant 0 : i32
        %dma_wait3A_429 = tpu.memref_slice %arg25[%dma_wait3A_427, %dma_wait3A_428] : memref<10240x128xf32, #tpu.memory_space<vmem_shared>> -> memref<10240x128xf32, #tpu.memory_space<vmem_shared>>
        tpu.wait_indirect_dma semaphore(%run_scoped3A : memref<!tpu.dma_semaphore, #tpu.memory_space<semaphore_mem>>) src(%arg9 : memref<80x128xf32, #tpu.memory_space<vmem>>) dst(%dma_wait3A_429 : memref<10240x128xf32, #tpu.memory_space<vmem_shared>>)
        tpu.yield
      }) : () -> ()
      %get3A_222 = arith.constant 0 : index
      %get3A_223 = tpu.vector_load %arg18[%get3A_222] {strides = array<i32>} : memref<80xi32, #tpu.memory_space<vmem>>, vector<16xi32>,
      tpu.vector_store_idx %arg24[%get3A_223], %broadcast_in_dim3A_1 {add = true} : memref<10000xf32, #tpu.memory_space<vmem>>[vector<16xi32>], vector<16xf32>,
      %get3A_224 = arith.constant 16 : index
      %get3A_225 = tpu.vector_load %arg18[%get3A_224] {strides = array<i32>} : memref<80xi32, #tpu.memory_space<vmem>>, vector<16xi32>,
      tpu.vector_store_idx %arg24[%get3A_225], %broadcast_in_dim3A_1 {add = true} : memref<10000xf32, #tpu.memory_space<vmem>>[vector<16xi32>], vector<16xf32>,
      %get3A_226 = arith.constant 32 : index
      %get3A_227 = tpu.vector_load %arg18[%get3A_226] {strides = array<i32>} : memref<80xi32, #tpu.memory_space<vmem>>, vector<16xi32>,
      tpu.vector_store_idx %arg24[%get3A_227], %broadcast_in_dim3A_1 {add = true} : memref<10000xf32, #tpu.memory_space<vmem>>[vector<16xi32>], vector<16xf32>,
      %get3A_228 = arith.constant 48 : index
      %get3A_229 = tpu.vector_load %arg18[%get3A_228] {strides = array<i32>} : memref<80xi32, #tpu.memory_space<vmem>>, vector<16xi32>,
      tpu.vector_store_idx %arg24[%get3A_229], %broadcast_in_dim3A_1 {add = true} : memref<10000xf32, #tpu.memory_space<vmem>>[vector<16xi32>], vector<16xf32>,
      %get3A_230 = arith.constant 64 : index
      %get3A_231 = tpu.vector_load %arg18[%get3A_230] {strides = array<i32>} : memref<80xi32, #tpu.memory_space<vmem>>, vector<16xi32>,
      tpu.vector_store_idx %arg24[%get3A_231], %broadcast_in_dim3A_1 {add = true} : memref<10000xf32, #tpu.memory_space<vmem>>[vector<16xi32>], vector<16xf32>,
      %add3A_232 = arith.constant 6 : i32
      %add3A_233 = arith.addi %add3A_218, %add3A_232 : i32
      %lt3A = arith.constant 125 : i32
      %lt3A_234 = arith.cmpi slt, %add3A_233, %lt3A : i32
      %convert_element_type3A = arith.extui %lt3A_234 : i1 to i32
      %cond3A = arith.constant 0 : i32
      %cond3A_235 = arith.cmpi ne, %convert_element_type3A, %cond3A : i32
      scf.if %cond3A_235 {
        %add3A_424 = arith.constant 6 : i32
        %add3A_425 = arith.addi %add3A_218, %add3A_424 : i32
        %mul3A_426 = arith.constant 80 : i32
        %mul3A_427 = arith.muli %add3A_425, %mul3A_426 : i32
        %add3A_428 = arith.addi %add3A, %mul3A_427 : i32
        %multiple_of3A_429 = tpu.assume_multiple %add3A_428, 8 : i32
        %dma_start3A_430 = tpu.memref_slice %arg3[%multiple_of3A_429] : memref<320000xi32, #tpu.memory_space<hbm>> -> memref<80xi32, #tpu.memory_space<hbm>>
        %dma_start3A_431 = tpu.memref_slice %arg3[%multiple_of3A_429] : memref<320000xi32, #tpu.memory_space<hbm>> -> memref<80xi32, #tpu.memory_space<hbm>>
        tpu.enqueue_dma source(%dma_start3A_431 : memref<80xi32, #tpu.memory_space<hbm>>) target(%arg12 : memref<80xi32, #tpu.memory_space<vmem>>) target_semaphore(%arg29 : memref<!tpu.dma_semaphore, #tpu.memory_space<semaphore_mem>>)
        %dma_start3A_432 = tpu.memref_slice %arg4[%multiple_of3A_429] : memref<320000xi32, #tpu.memory_space<hbm>> -> memref<80xi32, #tpu.memory_space<hbm>>
        %dma_start3A_433 = tpu.memref_slice %arg4[%multiple_of3A_429] : memref<320000xi32, #tpu.memory_space<hbm>> -> memref<80xi32, #tpu.memory_space<hbm>>
        tpu.enqueue_dma source(%dma_start3A_433 : memref<80xi32, #tpu.memory_space<hbm>>) target(%arg18 : memref<80xi32, #tpu.memory_space<vmem>>) target_semaphore(%arg29 : memref<!tpu.dma_semaphore, #tpu.memory_space<semaphore_mem>>)
      } else {
      }
      %add3A_236 = arith.constant 3 : i32
      %add3A_237 = arith.addi %add3A_218, %add3A_236 : i32
      %mul3A_238 = arith.constant 80 : i32
      %mul3A_239 = arith.muli %add3A_237, %mul3A_238 : i32
      %add3A_240 = arith.addi %add3A, %mul3A_239 : i32
      %multiple_of3A_241 = tpu.assume_multiple %add3A_240, 8 : i32
      %dma_wait3A_242 = tpu.memref_slice %arg3[%multiple_of3A_241] : memref<320000xi32, #tpu.memory_space<hbm>> -> memref<80xi32, #tpu.memory_space<hbm>>
      %dma_wait3A_243 = tpu.memref_slice %arg3[%multiple_of3A_241] : memref<320000xi32, #tpu.memory_space<hbm>> -> memref<80xi32, #tpu.memory_space<hbm>>
      tpu.wait_dma2 semaphore(%arg32 : memref<!tpu.dma_semaphore, #tpu.memory_space<semaphore_mem>>) src(%dma_wait3A_243 : memref<80xi32, #tpu.memory_space<hbm>>) dst(%arg15 : memref<80xi32, #tpu.memory_space<vmem>>)
      %dma_wait3A_244 = tpu.memref_slice %arg4[%multiple_of3A_241] : memref<320000xi32, #tpu.memory_space<hbm>> -> memref<80xi32, #tpu.memory_space<hbm>>
      %dma_wait3A_245 = tpu.memref_slice %arg4[%multiple_of3A_241] : memref<320000xi32, #tpu.memory_space<hbm>> -> memref<80xi32, #tpu.memory_space<hbm>>
      tpu.wait_dma2 semaphore(%arg32 : memref<!tpu.dma_semaphore, #tpu.memory_space<semaphore_mem>>) src(%dma_wait3A_245 : memref<80xi32, #tpu.memory_space<hbm>>) dst(%arg21 : memref<80xi32, #tpu.memory_space<vmem>>)
      %dma_start3A_246 = arith.constant 0 : i32
      %dma_start3A_247 = arith.constant 0 : i32
      %dma_start3A_248 = tpu.memref_slice %arg2[%dma_start3A_246, %dma_start3A_247] : memref<10000x128xf32, #tpu.memory_space<hbm>> -> memref<10000x128xf32, #tpu.memory_space<hbm>>
      tpu.enqueue_indirect_dma source(%dma_start3A_248 : memref<10000x128xf32, #tpu.memory_space<hbm>>) target(%arg9 : memref<80x128xf32, #tpu.memory_space<vmem>>) offsets(%arg15 : memref<80xi32, #tpu.memory_space<vmem>>) semaphore(%arg26 : memref<!tpu.dma_semaphore, #tpu.memory_space<semaphore_mem>>)
      %add3A_249 = arith.constant 1 : i32
      %add3A_250 = arith.addi %add3A_216, %add3A_249 : i32
      %dma_wait3A_251 = arith.constant 0 : i32
      %dma_wait3A_252 = arith.constant 0 : i32
      %dma_wait3A_253 = tpu.memref_slice %arg2[%dma_wait3A_251, %dma_wait3A_252] : memref<10000x128xf32, #tpu.memory_space<hbm>> -> memref<10000x128xf32, #tpu.memory_space<hbm>>
      tpu.wait_indirect_dma semaphore(%arg27 : memref<!tpu.dma_semaphore, #tpu.memory_space<semaphore_mem>>) src(%dma_wait3A_253 : memref<10000x128xf32, #tpu.memory_space<hbm>>) dst(%arg10 : memref<80x128xf32, #tpu.memory_space<vmem>>)
      "tpu.region"() ({
        %run_scoped3A = tpu.sem_alloc : memref<!tpu.dma_semaphore, #tpu.memory_space<semaphore_mem>>
        %dma_start3A_424 = arith.constant 0 : i32
        %dma_start3A_425 = arith.constant 0 : i32
        %dma_start3A_426 = tpu.memref_slice %arg25[%dma_start3A_424, %dma_start3A_425] : memref<10240x128xf32, #tpu.memory_space<vmem_shared>> -> memref<10240x128xf32, #tpu.memory_space<vmem_shared>>
        tpu.enqueue_indirect_dma source(%arg10 : memref<80x128xf32, #tpu.memory_space<vmem>>) target(%dma_start3A_426 : memref<10240x128xf32, #tpu.memory_space<vmem_shared>>) offsets(%arg19 : memref<80xi32, #tpu.memory_space<vmem>>) semaphore(%run_scoped3A : memref<!tpu.dma_semaphore, #tpu.memory_space<semaphore_mem>>) {add = true}
        %dma_wait3A_427 = arith.constant 0 : i32
        %dma_wait3A_428 = arith.constant 0 : i32
        %dma_wait3A_429 = tpu.memref_slice %arg25[%dma_wait3A_427, %dma_wait3A_428] : memref<10240x128xf32, #tpu.memory_space<vmem_shared>> -> memref<10240x128xf32, #tpu.memory_space<vmem_shared>>
        tpu.wait_indirect_dma semaphore(%run_scoped3A : memref<!tpu.dma_semaphore, #tpu.memory_space<semaphore_mem>>) src(%arg10 : memref<80x128xf32, #tpu.memory_space<vmem>>) dst(%dma_wait3A_429 : memref<10240x128xf32, #tpu.memory_space<vmem_shared>>)
        tpu.yield
      }) : () -> ()
      %get3A_254 = arith.constant 0 : index
      %get3A_255 = tpu.vector_load %arg19[%get3A_254] {strides = array<i32>} : memref<80xi32, #tpu.memory_space<vmem>>, vector<16xi32>,
      tpu.vector_store_idx %arg24[%get3A_255], %broadcast_in_dim3A_1 {add = true} : memref<10000xf32, #tpu.memory_space<vmem>>[vector<16xi32>], vector<16xf32>,
      %get3A_256 = arith.constant 16 : index
      %get3A_257 = tpu.vector_load %arg19[%get3A_256] {strides = array<i32>} : memref<80xi32, #tpu.memory_space<vmem>>, vector<16xi32>,
      tpu.vector_store_idx %arg24[%get3A_257], %broadcast_in_dim3A_1 {add = true} : memref<10000xf32, #tpu.memory_space<vmem>>[vector<16xi32>], vector<16xf32>,
      %get3A_258 = arith.constant 32 : index
      %get3A_259 = tpu.vector_load %arg19[%get3A_258] {strides = array<i32>} : memref<80xi32, #tpu.memory_space<vmem>>, vector<16xi32>,
      tpu.vector_store_idx %arg24[%get3A_259], %broadcast_in_dim3A_1 {add = true} : memref<10000xf32, #tpu.memory_space<vmem>>[vector<16xi32>], vector<16xf32>,
      %get3A_260 = arith.constant 48 : index
      %get3A_261 = tpu.vector_load %arg19[%get3A_260] {strides = array<i32>} : memref<80xi32, #tpu.memory_space<vmem>>, vector<16xi32>,
      tpu.vector_store_idx %arg24[%get3A_261], %broadcast_in_dim3A_1 {add = true} : memref<10000xf32, #tpu.memory_space<vmem>>[vector<16xi32>], vector<16xf32>,
      %get3A_262 = arith.constant 64 : index
      %get3A_263 = tpu.vector_load %arg19[%get3A_262] {strides = array<i32>} : memref<80xi32, #tpu.memory_space<vmem>>, vector<16xi32>,
      tpu.vector_store_idx %arg24[%get3A_263], %broadcast_in_dim3A_1 {add = true} : memref<10000xf32, #tpu.memory_space<vmem>>[vector<16xi32>], vector<16xf32>,
      %add3A_264 = arith.constant 6 : i32
      %add3A_265 = arith.addi %add3A_250, %add3A_264 : i32
      %lt3A_266 = arith.constant 125 : i32
      %lt3A_267 = arith.cmpi slt, %add3A_265, %lt3A_266 : i32
      %convert_element_type3A_268 = arith.extui %lt3A_267 : i1 to i32
      %cond3A_269 = arith.constant 0 : i32
      %cond3A_270 = arith.cmpi ne, %convert_element_type3A_268, %cond3A_269 : i32
      scf.if %cond3A_270 {
        %add3A_424 = arith.constant 6 : i32
        %add3A_425 = arith.addi %add3A_250, %add3A_424 : i32
        %mul3A_426 = arith.constant 80 : i32
        %mul3A_427 = arith.muli %add3A_425, %mul3A_426 : i32
        %add3A_428 = arith.addi %add3A, %mul3A_427 : i32
        %multiple_of3A_429 = tpu.assume_multiple %add3A_428, 8 : i32
        %dma_start3A_430 = tpu.memref_slice %arg3[%multiple_of3A_429] : memref<320000xi32, #tpu.memory_space<hbm>> -> memref<80xi32, #tpu.memory_space<hbm>>
        %dma_start3A_431 = tpu.memref_slice %arg3[%multiple_of3A_429] : memref<320000xi32, #tpu.memory_space<hbm>> -> memref<80xi32, #tpu.memory_space<hbm>>
        tpu.enqueue_dma source(%dma_start3A_431 : memref<80xi32, #tpu.memory_space<hbm>>) target(%arg13 : memref<80xi32, #tpu.memory_space<vmem>>) target_semaphore(%arg30 : memref<!tpu.dma_semaphore, #tpu.memory_space<semaphore_mem>>)
        %dma_start3A_432 = tpu.memref_slice %arg4[%multiple_of3A_429] : memref<320000xi32, #tpu.memory_space<hbm>> -> memref<80xi32, #tpu.memory_space<hbm>>
        %dma_start3A_433 = tpu.memref_slice %arg4[%multiple_of3A_429] : memref<320000xi32, #tpu.memory_space<hbm>> -> memref<80xi32, #tpu.memory_space<hbm>>
        tpu.enqueue_dma source(%dma_start3A_433 : memref<80xi32, #tpu.memory_space<hbm>>) target(%arg19 : memref<80xi32, #tpu.memory_space<vmem>>) target_semaphore(%arg30 : memref<!tpu.dma_semaphore, #tpu.memory_space<semaphore_mem>>)
      } else {
      }
      %add3A_271 = arith.constant 3 : i32
      %add3A_272 = arith.addi %add3A_250, %add3A_271 : i32
      %mul3A_273 = arith.constant 80 : i32
      %mul3A_274 = arith.muli %add3A_272, %mul3A_273 : i32
      %add3A_275 = arith.addi %add3A, %mul3A_274 : i32
      %multiple_of3A_276 = tpu.assume_multiple %add3A_275, 8 : i32
      %dma_wait3A_277 = tpu.memref_slice %arg3[%multiple_of3A_276] : memref<320000xi32, #tpu.memory_space<hbm>> -> memref<80xi32, #tpu.memory_space<hbm>>
      %dma_wait3A_278 = tpu.memref_slice %arg3[%multiple_of3A_276] : memref<320000xi32, #tpu.memory_space<hbm>> -> memref<80xi32, #tpu.memory_space<hbm>>
      tpu.wait_dma2 semaphore(%arg33 : memref<!tpu.dma_semaphore, #tpu.memory_space<semaphore_mem>>) src(%dma_wait3A_278 : memref<80xi32, #tpu.memory_space<hbm>>) dst(%arg16 : memref<80xi32, #tpu.memory_space<vmem>>)
      %dma_wait3A_279 = tpu.memref_slice %arg4[%multiple_of3A_276] : memref<320000xi32, #tpu.memory_space<hbm>> -> memref<80xi32, #tpu.memory_space<hbm>>
      %dma_wait3A_280 = tpu.memref_slice %arg4[%multiple_of3A_276] : memref<320000xi32, #tpu.memory_space<hbm>> -> memref<80xi32, #tpu.memory_space<hbm>>
      tpu.wait_dma2 semaphore(%arg33 : memref<!tpu.dma_semaphore, #tpu.memory_space<semaphore_mem>>) src(%dma_wait3A_280 : memref<80xi32, #tpu.memory_space<hbm>>) dst(%arg22 : memref<80xi32, #tpu.memory_space<vmem>>)
      %dma_start3A_281 = arith.constant 0 : i32
      %dma_start3A_282 = arith.constant 0 : i32
      %dma_start3A_283 = tpu.memref_slice %arg2[%dma_start3A_281, %dma_start3A_282] : memref<10000x128xf32, #tpu.memory_space<hbm>> -> memref<10000x128xf32, #tpu.memory_space<hbm>>
      tpu.enqueue_indirect_dma source(%dma_start3A_283 : memref<10000x128xf32, #tpu.memory_space<hbm>>) target(%arg10 : memref<80x128xf32, #tpu.memory_space<vmem>>) offsets(%arg16 : memref<80xi32, #tpu.memory_space<vmem>>) semaphore(%arg27 : memref<!tpu.dma_semaphore, #tpu.memory_space<semaphore_mem>>)
      %add3A_284 = arith.constant 2 : i32
      %add3A_285 = arith.addi %add3A_216, %add3A_284 : i32
      %dma_wait3A_286 = arith.constant 0 : i32
      %dma_wait3A_287 = arith.constant 0 : i32
      %dma_wait3A_288 = tpu.memref_slice %arg2[%dma_wait3A_286, %dma_wait3A_287] : memref<10000x128xf32, #tpu.memory_space<hbm>> -> memref<10000x128xf32, #tpu.memory_space<hbm>>
      tpu.wait_indirect_dma semaphore(%arg28 : memref<!tpu.dma_semaphore, #tpu.memory_space<semaphore_mem>>) src(%dma_wait3A_288 : memref<10000x128xf32, #tpu.memory_space<hbm>>) dst(%arg11 : memref<80x128xf32, #tpu.memory_space<vmem>>)
      "tpu.region"() ({
        %run_scoped3A = tpu.sem_alloc : memref<!tpu.dma_semaphore, #tpu.memory_space<semaphore_mem>>
        %dma_start3A_424 = arith.constant 0 : i32
        %dma_start3A_425 = arith.constant 0 : i32
        %dma_start3A_426 = tpu.memref_slice %arg25[%dma_start3A_424, %dma_start3A_425] : memref<10240x128xf32, #tpu.memory_space<vmem_shared>> -> memref<10240x128xf32, #tpu.memory_space<vmem_shared>>
        tpu.enqueue_indirect_dma source(%arg11 : memref<80x128xf32, #tpu.memory_space<vmem>>) target(%dma_start3A_426 : memref<10240x128xf32, #tpu.memory_space<vmem_shared>>) offsets(%arg20 : memref<80xi32, #tpu.memory_space<vmem>>) semaphore(%run_scoped3A : memref<!tpu.dma_semaphore, #tpu.memory_space<semaphore_mem>>) {add = true}
        %dma_wait3A_427 = arith.constant 0 : i32
        %dma_wait3A_428 = arith.constant 0 : i32
        %dma_wait3A_429 = tpu.memref_slice %arg25[%dma_wait3A_427, %dma_wait3A_428] : memref<10240x128xf32, #tpu.memory_space<vmem_shared>> -> memref<10240x128xf32, #tpu.memory_space<vmem_shared>>
        tpu.wait_indirect_dma semaphore(%run_scoped3A : memref<!tpu.dma_semaphore, #tpu.memory_space<semaphore_mem>>) src(%arg11 : memref<80x128xf32, #tpu.memory_space<vmem>>) dst(%dma_wait3A_429 : memref<10240x128xf32, #tpu.memory_space<vmem_shared>>)
        tpu.yield
      }) : () -> ()
      %get3A_289 = arith.constant 0 : index
      %get3A_290 = tpu.vector_load %arg20[%get3A_289] {strides = array<i32>} : memref<80xi32, #tpu.memory_space<vmem>>, vector<16xi32>,
      tpu.vector_store_idx %arg24[%get3A_290], %broadcast_in_dim3A_1 {add = true} : memref<10000xf32, #tpu.memory_space<vmem>>[vector<16xi32>], vector<16xf32>,
      %get3A_291 = arith.constant 16 : index
      %get3A_292 = tpu.vector_load %arg20[%get3A_291] {strides = array<i32>} : memref<80xi32, #tpu.memory_space<vmem>>, vector<16xi32>,
      tpu.vector_store_idx %arg24[%get3A_292], %broadcast_in_dim3A_1 {add = true} : memref<10000xf32, #tpu.memory_space<vmem>>[vector<16xi32>], vector<16xf32>,
      %get3A_293 = arith.constant 32 : index
      %get3A_294 = tpu.vector_load %arg20[%get3A_293] {strides = array<i32>} : memref<80xi32, #tpu.memory_space<vmem>>, vector<16xi32>,
      tpu.vector_store_idx %arg24[%get3A_294], %broadcast_in_dim3A_1 {add = true} : memref<10000xf32, #tpu.memory_space<vmem>>[vector<16xi32>], vector<16xf32>,
      %get3A_295 = arith.constant 48 : index
      %get3A_296 = tpu.vector_load %arg20[%get3A_295] {strides = array<i32>} : memref<80xi32, #tpu.memory_space<vmem>>, vector<16xi32>,
      tpu.vector_store_idx %arg24[%get3A_296], %broadcast_in_dim3A_1 {add = true} : memref<10000xf32, #tpu.memory_space<vmem>>[vector<16xi32>], vector<16xf32>,
      %get3A_297 = arith.constant 64 : index
      %get3A_298 = tpu.vector_load %arg20[%get3A_297] {strides = array<i32>} : memref<80xi32, #tpu.memory_space<vmem>>, vector<16xi32>,
      tpu.vector_store_idx %arg24[%get3A_298], %broadcast_in_dim3A_1 {add = true} : memref<10000xf32, #tpu.memory_space<vmem>>[vector<16xi32>], vector<16xf32>,
      %add3A_299 = arith.constant 6 : i32
      %add3A_300 = arith.addi %add3A_285, %add3A_299 : i32
      %lt3A_301 = arith.constant 125 : i32
      %lt3A_302 = arith.cmpi slt, %add3A_300, %lt3A_301 : i32
      %convert_element_type3A_303 = arith.extui %lt3A_302 : i1 to i32
      %cond3A_304 = arith.constant 0 : i32
      %cond3A_305 = arith.cmpi ne, %convert_element_type3A_303, %cond3A_304 : i32
      scf.if %cond3A_305 {
        %add3A_424 = arith.constant 6 : i32
        %add3A_425 = arith.addi %add3A_285, %add3A_424 : i32
        %mul3A_426 = arith.constant 80 : i32
        %mul3A_427 = arith.muli %add3A_425, %mul3A_426 : i32
        %add3A_428 = arith.addi %add3A, %mul3A_427 : i32
        %multiple_of3A_429 = tpu.assume_multiple %add3A_428, 8 : i32
        %dma_start3A_430 = tpu.memref_slice %arg3[%multiple_of3A_429] : memref<320000xi32, #tpu.memory_space<hbm>> -> memref<80xi32, #tpu.memory_space<hbm>>
        %dma_start3A_431 = tpu.memref_slice %arg3[%multiple_of3A_429] : memref<320000xi32, #tpu.memory_space<hbm>> -> memref<80xi32, #tpu.memory_space<hbm>>
        tpu.enqueue_dma source(%dma_start3A_431 : memref<80xi32, #tpu.memory_space<hbm>>) target(%arg14 : memref<80xi32, #tpu.memory_space<vmem>>) target_semaphore(%arg31 : memref<!tpu.dma_semaphore, #tpu.memory_space<semaphore_mem>>)
        %dma_start3A_432 = tpu.memref_slice %arg4[%multiple_of3A_429] : memref<320000xi32, #tpu.memory_space<hbm>> -> memref<80xi32, #tpu.memory_space<hbm>>
        %dma_start3A_433 = tpu.memref_slice %arg4[%multiple_of3A_429] : memref<320000xi32, #tpu.memory_space<hbm>> -> memref<80xi32, #tpu.memory_space<hbm>>
        tpu.enqueue_dma source(%dma_start3A_433 : memref<80xi32, #tpu.memory_space<hbm>>) target(%arg20 : memref<80xi32, #tpu.memory_space<vmem>>) target_semaphore(%arg31 : memref<!tpu.dma_semaphore, #tpu.memory_space<semaphore_mem>>)
      } else {
      }
      %add3A_306 = arith.constant 3 : i32
      %add3A_307 = arith.addi %add3A_285, %add3A_306 : i32
      %mul3A_308 = arith.constant 80 : i32
      %mul3A_309 = arith.muli %add3A_307, %mul3A_308 : i32
      %add3A_310 = arith.addi %add3A, %mul3A_309 : i32
      %multiple_of3A_311 = tpu.assume_multiple %add3A_310, 8 : i32
      %dma_wait3A_312 = tpu.memref_slice %arg3[%multiple_of3A_311] : memref<320000xi32, #tpu.memory_space<hbm>> -> memref<80xi32, #tpu.memory_space<hbm>>
      %dma_wait3A_313 = tpu.memref_slice %arg3[%multiple_of3A_311] : memref<320000xi32, #tpu.memory_space<hbm>> -> memref<80xi32, #tpu.memory_space<hbm>>
      tpu.wait_dma2 semaphore(%arg34 : memref<!tpu.dma_semaphore, #tpu.memory_space<semaphore_mem>>) src(%dma_wait3A_313 : memref<80xi32, #tpu.memory_space<hbm>>) dst(%arg17 : memref<80xi32, #tpu.memory_space<vmem>>)
      %dma_wait3A_314 = tpu.memref_slice %arg4[%multiple_of3A_311] : memref<320000xi32, #tpu.memory_space<hbm>> -> memref<80xi32, #tpu.memory_space<hbm>>
      %dma_wait3A_315 = tpu.memref_slice %arg4[%multiple_of3A_311] : memref<320000xi32, #tpu.memory_space<hbm>> -> memref<80xi32, #tpu.memory_space<hbm>>
      tpu.wait_dma2 semaphore(%arg34 : memref<!tpu.dma_semaphore, #tpu.memory_space<semaphore_mem>>) src(%dma_wait3A_315 : memref<80xi32, #tpu.memory_space<hbm>>) dst(%arg23 : memref<80xi32, #tpu.memory_space<vmem>>)
      %dma_start3A_316 = arith.constant 0 : i32
      %dma_start3A_317 = arith.constant 0 : i32
      %dma_start3A_318 = tpu.memref_slice %arg2[%dma_start3A_316, %dma_start3A_317] : memref<10000x128xf32, #tpu.memory_space<hbm>> -> memref<10000x128xf32, #tpu.memory_space<hbm>>
      tpu.enqueue_indirect_dma source(%dma_start3A_318 : memref<10000x128xf32, #tpu.memory_space<hbm>>) target(%arg11 : memref<80x128xf32, #tpu.memory_space<vmem>>) offsets(%arg17 : memref<80xi32, #tpu.memory_space<vmem>>) semaphore(%arg28 : memref<!tpu.dma_semaphore, #tpu.memory_space<semaphore_mem>>)
      %add3A_319 = arith.constant 3 : i32
      %add3A_320 = arith.addi %add3A_216, %add3A_319 : i32
      %dma_wait3A_321 = arith.constant 0 : i32
      %dma_wait3A_322 = arith.constant 0 : i32
      %dma_wait3A_323 = tpu.memref_slice %arg2[%dma_wait3A_321, %dma_wait3A_322] : memref<10000x128xf32, #tpu.memory_space<hbm>> -> memref<10000x128xf32, #tpu.memory_space<hbm>>
      tpu.wait_indirect_dma semaphore(%arg26 : memref<!tpu.dma_semaphore, #tpu.memory_space<semaphore_mem>>) src(%dma_wait3A_323 : memref<10000x128xf32, #tpu.memory_space<hbm>>) dst(%arg9 : memref<80x128xf32, #tpu.memory_space<vmem>>)
      "tpu.region"() ({
        %run_scoped3A = tpu.sem_alloc : memref<!tpu.dma_semaphore, #tpu.memory_space<semaphore_mem>>
        %dma_start3A_424 = arith.constant 0 : i32
        %dma_start3A_425 = arith.constant 0 : i32
        %dma_start3A_426 = tpu.memref_slice %arg25[%dma_start3A_424, %dma_start3A_425] : memref<10240x128xf32, #tpu.memory_space<vmem_shared>> -> memref<10240x128xf32, #tpu.memory_space<vmem_shared>>
        tpu.enqueue_indirect_dma source(%arg9 : memref<80x128xf32, #tpu.memory_space<vmem>>) target(%dma_start3A_426 : memref<10240x128xf32, #tpu.memory_space<vmem_shared>>) offsets(%arg21 : memref<80xi32, #tpu.memory_space<vmem>>) semaphore(%run_scoped3A : memref<!tpu.dma_semaphore, #tpu.memory_space<semaphore_mem>>) {add = true}
        %dma_wait3A_427 = arith.constant 0 : i32
        %dma_wait3A_428 = arith.constant 0 : i32
        %dma_wait3A_429 = tpu.memref_slice %arg25[%dma_wait3A_427, %dma_wait3A_428] : memref<10240x128xf32, #tpu.memory_space<vmem_shared>> -> memref<10240x128xf32, #tpu.memory_space<vmem_shared>>
        tpu.wait_indirect_dma semaphore(%run_scoped3A : memref<!tpu.dma_semaphore, #tpu.memory_space<semaphore_mem>>) src(%arg9 : memref<80x128xf32, #tpu.memory_space<vmem>>) dst(%dma_wait3A_429 : memref<10240x128xf32, #tpu.memory_space<vmem_shared>>)
        tpu.yield
      }) : () -> ()
      %get3A_324 = arith.constant 0 : index
      %get3A_325 = tpu.vector_load %arg21[%get3A_324] {strides = array<i32>} : memref<80xi32, #tpu.memory_space<vmem>>, vector<16xi32>,
      tpu.vector_store_idx %arg24[%get3A_325], %broadcast_in_dim3A_1 {add = true} : memref<10000xf32, #tpu.memory_space<vmem>>[vector<16xi32>], vector<16xf32>,
      %get3A_326 = arith.constant 16 : index
      %get3A_327 = tpu.vector_load %arg21[%get3A_326] {strides = array<i32>} : memref<80xi32, #tpu.memory_space<vmem>>, vector<16xi32>,
      tpu.vector_store_idx %arg24[%get3A_327], %broadcast_in_dim3A_1 {add = true} : memref<10000xf32, #tpu.memory_space<vmem>>[vector<16xi32>], vector<16xf32>,
      %get3A_328 = arith.constant 32 : index
      %get3A_329 = tpu.vector_load %arg21[%get3A_328] {strides = array<i32>} : memref<80xi32, #tpu.memory_space<vmem>>, vector<16xi32>,
      tpu.vector_store_idx %arg24[%get3A_329], %broadcast_in_dim3A_1 {add = true} : memref<10000xf32, #tpu.memory_space<vmem>>[vector<16xi32>], vector<16xf32>,
      %get3A_330 = arith.constant 48 : index
      %get3A_331 = tpu.vector_load %arg21[%get3A_330] {strides = array<i32>} : memref<80xi32, #tpu.memory_space<vmem>>, vector<16xi32>,
      tpu.vector_store_idx %arg24[%get3A_331], %broadcast_in_dim3A_1 {add = true} : memref<10000xf32, #tpu.memory_space<vmem>>[vector<16xi32>], vector<16xf32>,
      %get3A_332 = arith.constant 64 : index
      %get3A_333 = tpu.vector_load %arg21[%get3A_332] {strides = array<i32>} : memref<80xi32, #tpu.memory_space<vmem>>, vector<16xi32>,
      tpu.vector_store_idx %arg24[%get3A_333], %broadcast_in_dim3A_1 {add = true} : memref<10000xf32, #tpu.memory_space<vmem>>[vector<16xi32>], vector<16xf32>,
      %add3A_334 = arith.constant 6 : i32
      %add3A_335 = arith.addi %add3A_320, %add3A_334 : i32
      %lt3A_336 = arith.constant 125 : i32
      %lt3A_337 = arith.cmpi slt, %add3A_335, %lt3A_336 : i32
      %convert_element_type3A_338 = arith.extui %lt3A_337 : i1 to i32
      %cond3A_339 = arith.constant 0 : i32
      %cond3A_340 = arith.cmpi ne, %convert_element_type3A_338, %cond3A_339 : i32
      scf.if %cond3A_340 {
        %add3A_424 = arith.constant 6 : i32
        %add3A_425 = arith.addi %add3A_320, %add3A_424 : i32
        %mul3A_426 = arith.constant 80 : i32
        %mul3A_427 = arith.muli %add3A_425, %mul3A_426 : i32
        %add3A_428 = arith.addi %add3A, %mul3A_427 : i32
        %multiple_of3A_429 = tpu.assume_multiple %add3A_428, 8 : i32
        %dma_start3A_430 = tpu.memref_slice %arg3[%multiple_of3A_429] : memref<320000xi32, #tpu.memory_space<hbm>> -> memref<80xi32, #tpu.memory_space<hbm>>
        %dma_start3A_431 = tpu.memref_slice %arg3[%multiple_of3A_429] : memref<320000xi32, #tpu.memory_space<hbm>> -> memref<80xi32, #tpu.memory_space<hbm>>
        tpu.enqueue_dma source(%dma_start3A_431 : memref<80xi32, #tpu.memory_space<hbm>>) target(%arg15 : memref<80xi32, #tpu.memory_space<vmem>>) target_semaphore(%arg32 : memref<!tpu.dma_semaphore, #tpu.memory_space<semaphore_mem>>)
        %dma_start3A_432 = tpu.memref_slice %arg4[%multiple_of3A_429] : memref<320000xi32, #tpu.memory_space<hbm>> -> memref<80xi32, #tpu.memory_space<hbm>>
        %dma_start3A_433 = tpu.memref_slice %arg4[%multiple_of3A_429] : memref<320000xi32, #tpu.memory_space<hbm>> -> memref<80xi32, #tpu.memory_space<hbm>>
        tpu.enqueue_dma source(%dma_start3A_433 : memref<80xi32, #tpu.memory_space<hbm>>) target(%arg21 : memref<80xi32, #tpu.memory_space<vmem>>) target_semaphore(%arg32 : memref<!tpu.dma_semaphore, #tpu.memory_space<semaphore_mem>>)
      } else {
      }
      %add3A_341 = arith.constant 3 : i32
      %add3A_342 = arith.addi %add3A_320, %add3A_341 : i32
      %mul3A_343 = arith.constant 80 : i32
      %mul3A_344 = arith.muli %add3A_342, %mul3A_343 : i32
      %add3A_345 = arith.addi %add3A, %mul3A_344 : i32
      %multiple_of3A_346 = tpu.assume_multiple %add3A_345, 8 : i32
      %dma_wait3A_347 = tpu.memref_slice %arg3[%multiple_of3A_346] : memref<320000xi32, #tpu.memory_space<hbm>> -> memref<80xi32, #tpu.memory_space<hbm>>
      %dma_wait3A_348 = tpu.memref_slice %arg3[%multiple_of3A_346] : memref<320000xi32, #tpu.memory_space<hbm>> -> memref<80xi32, #tpu.memory_space<hbm>>
      tpu.wait_dma2 semaphore(%arg29 : memref<!tpu.dma_semaphore, #tpu.memory_space<semaphore_mem>>) src(%dma_wait3A_348 : memref<80xi32, #tpu.memory_space<hbm>>) dst(%arg12 : memref<80xi32, #tpu.memory_space<vmem>>)
      %dma_wait3A_349 = tpu.memref_slice %arg4[%multiple_of3A_346] : memref<320000xi32, #tpu.memory_space<hbm>> -> memref<80xi32, #tpu.memory_space<hbm>>
      %dma_wait3A_350 = tpu.memref_slice %arg4[%multiple_of3A_346] : memref<320000xi32, #tpu.memory_space<hbm>> -> memref<80xi32, #tpu.memory_space<hbm>>
      tpu.wait_dma2 semaphore(%arg29 : memref<!tpu.dma_semaphore, #tpu.memory_space<semaphore_mem>>) src(%dma_wait3A_350 : memref<80xi32, #tpu.memory_space<hbm>>) dst(%arg18 : memref<80xi32, #tpu.memory_space<vmem>>)
      %dma_start3A_351 = arith.constant 0 : i32
      %dma_start3A_352 = arith.constant 0 : i32
      %dma_start3A_353 = tpu.memref_slice %arg2[%dma_start3A_351, %dma_start3A_352] : memref<10000x128xf32, #tpu.memory_space<hbm>> -> memref<10000x128xf32, #tpu.memory_space<hbm>>
      tpu.enqueue_indirect_dma source(%dma_start3A_353 : memref<10000x128xf32, #tpu.memory_space<hbm>>) target(%arg9 : memref<80x128xf32, #tpu.memory_space<vmem>>) offsets(%arg12 : memref<80xi32, #tpu.memory_space<vmem>>) semaphore(%arg26 : memref<!tpu.dma_semaphore, #tpu.memory_space<semaphore_mem>>)
      %add3A_354 = arith.constant 4 : i32
      %add3A_355 = arith.addi %add3A_216, %add3A_354 : i32
      %dma_wait3A_356 = arith.constant 0 : i32
      %dma_wait3A_357 = arith.constant 0 : i32
      %dma_wait3A_358 = tpu.memref_slice %arg2[%dma_wait3A_356, %dma_wait3A_357] : memref<10000x128xf32, #tpu.memory_space<hbm>> -> memref<10000x128xf32, #tpu.memory_space<hbm>>
      tpu.wait_indirect_dma semaphore(%arg27 : memref<!tpu.dma_semaphore, #tpu.memory_space<semaphore_mem>>) src(%dma_wait3A_358 : memref<10000x128xf32, #tpu.memory_space<hbm>>) dst(%arg10 : memref<80x128xf32, #tpu.memory_space<vmem>>)
      "tpu.region"() ({
        %run_scoped3A = tpu.sem_alloc : memref<!tpu.dma_semaphore, #tpu.memory_space<semaphore_mem>>
        %dma_start3A_424 = arith.constant 0 : i32
        %dma_start3A_425 = arith.constant 0 : i32
        %dma_start3A_426 = tpu.memref_slice %arg25[%dma_start3A_424, %dma_start3A_425] : memref<10240x128xf32, #tpu.memory_space<vmem_shared>> -> memref<10240x128xf32, #tpu.memory_space<vmem_shared>>
        tpu.enqueue_indirect_dma source(%arg10 : memref<80x128xf32, #tpu.memory_space<vmem>>) target(%dma_start3A_426 : memref<10240x128xf32, #tpu.memory_space<vmem_shared>>) offsets(%arg22 : memref<80xi32, #tpu.memory_space<vmem>>) semaphore(%run_scoped3A : memref<!tpu.dma_semaphore, #tpu.memory_space<semaphore_mem>>) {add = true}
        %dma_wait3A_427 = arith.constant 0 : i32
        %dma_wait3A_428 = arith.constant 0 : i32
        %dma_wait3A_429 = tpu.memref_slice %arg25[%dma_wait3A_427, %dma_wait3A_428] : memref<10240x128xf32, #tpu.memory_space<vmem_shared>> -> memref<10240x128xf32, #tpu.memory_space<vmem_shared>>
        tpu.wait_indirect_dma semaphore(%run_scoped3A : memref<!tpu.dma_semaphore, #tpu.memory_space<semaphore_mem>>) src(%arg10 : memref<80x128xf32, #tpu.memory_space<vmem>>) dst(%dma_wait3A_429 : memref<10240x128xf32, #tpu.memory_space<vmem_shared>>)
        tpu.yield
      }) : () -> ()
      %get3A_359 = arith.constant 0 : index
      %get3A_360 = tpu.vector_load %arg22[%get3A_359] {strides = array<i32>} : memref<80xi32, #tpu.memory_space<vmem>>, vector<16xi32>,
      tpu.vector_store_idx %arg24[%get3A_360], %broadcast_in_dim3A_1 {add = true} : memref<10000xf32, #tpu.memory_space<vmem>>[vector<16xi32>], vector<16xf32>,
      %get3A_361 = arith.constant 16 : index
      %get3A_362 = tpu.vector_load %arg22[%get3A_361] {strides = array<i32>} : memref<80xi32, #tpu.memory_space<vmem>>, vector<16xi32>,
      tpu.vector_store_idx %arg24[%get3A_362], %broadcast_in_dim3A_1 {add = true} : memref<10000xf32, #tpu.memory_space<vmem>>[vector<16xi32>], vector<16xf32>,
      %get3A_363 = arith.constant 32 : index
      %get3A_364 = tpu.vector_load %arg22[%get3A_363] {strides = array<i32>} : memref<80xi32, #tpu.memory_space<vmem>>, vector<16xi32>,
      tpu.vector_store_idx %arg24[%get3A_364], %broadcast_in_dim3A_1 {add = true} : memref<10000xf32, #tpu.memory_space<vmem>>[vector<16xi32>], vector<16xf32>,
      %get3A_365 = arith.constant 48 : index
      %get3A_366 = tpu.vector_load %arg22[%get3A_365] {strides = array<i32>} : memref<80xi32, #tpu.memory_space<vmem>>, vector<16xi32>,
      tpu.vector_store_idx %arg24[%get3A_366], %broadcast_in_dim3A_1 {add = true} : memref<10000xf32, #tpu.memory_space<vmem>>[vector<16xi32>], vector<16xf32>,
      %get3A_367 = arith.constant 64 : index
      %get3A_368 = tpu.vector_load %arg22[%get3A_367] {strides = array<i32>} : memref<80xi32, #tpu.memory_space<vmem>>, vector<16xi32>,
      tpu.vector_store_idx %arg24[%get3A_368], %broadcast_in_dim3A_1 {add = true} : memref<10000xf32, #tpu.memory_space<vmem>>[vector<16xi32>], vector<16xf32>,
      %add3A_369 = arith.constant 6 : i32
      %add3A_370 = arith.addi %add3A_355, %add3A_369 : i32
      %lt3A_371 = arith.constant 125 : i32
      %lt3A_372 = arith.cmpi slt, %add3A_370, %lt3A_371 : i32
      %convert_element_type3A_373 = arith.extui %lt3A_372 : i1 to i32
      %cond3A_374 = arith.constant 0 : i32
      %cond3A_375 = arith.cmpi ne, %convert_element_type3A_373, %cond3A_374 : i32
      scf.if %cond3A_375 {
        %add3A_424 = arith.constant 6 : i32
        %add3A_425 = arith.addi %add3A_355, %add3A_424 : i32
        %mul3A_426 = arith.constant 80 : i32
        %mul3A_427 = arith.muli %add3A_425, %mul3A_426 : i32
        %add3A_428 = arith.addi %add3A, %mul3A_427 : i32
        %multiple_of3A_429 = tpu.assume_multiple %add3A_428, 8 : i32
        %dma_start3A_430 = tpu.memref_slice %arg3[%multiple_of3A_429] : memref<320000xi32, #tpu.memory_space<hbm>> -> memref<80xi32, #tpu.memory_space<hbm>>
        %dma_start3A_431 = tpu.memref_slice %arg3[%multiple_of3A_429] : memref<320000xi32, #tpu.memory_space<hbm>> -> memref<80xi32, #tpu.memory_space<hbm>>
        tpu.enqueue_dma source(%dma_start3A_431 : memref<80xi32, #tpu.memory_space<hbm>>) target(%arg16 : memref<80xi32, #tpu.memory_space<vmem>>) target_semaphore(%arg33 : memref<!tpu.dma_semaphore, #tpu.memory_space<semaphore_mem>>)
        %dma_start3A_432 = tpu.memref_slice %arg4[%multiple_of3A_429] : memref<320000xi32, #tpu.memory_space<hbm>> -> memref<80xi32, #tpu.memory_space<hbm>>
        %dma_start3A_433 = tpu.memref_slice %arg4[%multiple_of3A_429] : memref<320000xi32, #tpu.memory_space<hbm>> -> memref<80xi32, #tpu.memory_space<hbm>>
        tpu.enqueue_dma source(%dma_start3A_433 : memref<80xi32, #tpu.memory_space<hbm>>) target(%arg22 : memref<80xi32, #tpu.memory_space<vmem>>) target_semaphore(%arg33 : memref<!tpu.dma_semaphore, #tpu.memory_space<semaphore_mem>>)
      } else {
      }
      %add3A_376 = arith.constant 3 : i32
      %add3A_377 = arith.addi %add3A_355, %add3A_376 : i32
      %mul3A_378 = arith.constant 80 : i32
      %mul3A_379 = arith.muli %add3A_377, %mul3A_378 : i32
      %add3A_380 = arith.addi %add3A, %mul3A_379 : i32
      %multiple_of3A_381 = tpu.assume_multiple %add3A_380, 8 : i32
      %dma_wait3A_382 = tpu.memref_slice %arg3[%multiple_of3A_381] : memref<320000xi32, #tpu.memory_space<hbm>> -> memref<80xi32, #tpu.memory_space<hbm>>
      %dma_wait3A_383 = tpu.memref_slice %arg3[%multiple_of3A_381] : memref<320000xi32, #tpu.memory_space<hbm>> -> memref<80xi32, #tpu.memory_space<hbm>>
      tpu.wait_dma2 semaphore(%arg30 : memref<!tpu.dma_semaphore, #tpu.memory_space<semaphore_mem>>) src(%dma_wait3A_383 : memref<80xi32, #tpu.memory_space<hbm>>) dst(%arg13 : memref<80xi32, #tpu.memory_space<vmem>>)
      %dma_wait3A_384 = tpu.memref_slice %arg4[%multiple_of3A_381] : memref<320000xi32, #tpu.memory_space<hbm>> -> memref<80xi32, #tpu.memory_space<hbm>>
      %dma_wait3A_385 = tpu.memref_slice %arg4[%multiple_of3A_381] : memref<320000xi32, #tpu.memory_space<hbm>> -> memref<80xi32, #tpu.memory_space<hbm>>
      tpu.wait_dma2 semaphore(%arg30 : memref<!tpu.dma_semaphore, #tpu.memory_space<semaphore_mem>>) src(%dma_wait3A_385 : memref<80xi32, #tpu.memory_space<hbm>>) dst(%arg19 : memref<80xi32, #tpu.memory_space<vmem>>)
      %dma_start3A_386 = arith.constant 0 : i32
      %dma_start3A_387 = arith.constant 0 : i32
      %dma_start3A_388 = tpu.memref_slice %arg2[%dma_start3A_386, %dma_start3A_387] : memref<10000x128xf32, #tpu.memory_space<hbm>> -> memref<10000x128xf32, #tpu.memory_space<hbm>>
      tpu.enqueue_indirect_dma source(%dma_start3A_388 : memref<10000x128xf32, #tpu.memory_space<hbm>>) target(%arg10 : memref<80x128xf32, #tpu.memory_space<vmem>>) offsets(%arg13 : memref<80xi32, #tpu.memory_space<vmem>>) semaphore(%arg27 : memref<!tpu.dma_semaphore, #tpu.memory_space<semaphore_mem>>)
      %add3A_389 = arith.constant 5 : i32
      %add3A_390 = arith.addi %add3A_216, %add3A_389 : i32
      %dma_wait3A_391 = arith.constant 0 : i32
      %dma_wait3A_392 = arith.constant 0 : i32
      %dma_wait3A_393 = tpu.memref_slice %arg2[%dma_wait3A_391, %dma_wait3A_392] : memref<10000x128xf32, #tpu.memory_space<hbm>> -> memref<10000x128xf32, #tpu.memory_space<hbm>>
      tpu.wait_indirect_dma semaphore(%arg28 : memref<!tpu.dma_semaphore, #tpu.memory_space<semaphore_mem>>) src(%dma_wait3A_393 : memref<10000x128xf32, #tpu.memory_space<hbm>>) dst(%arg11 : memref<80x128xf32, #tpu.memory_space<vmem>>)
      "tpu.region"() ({
        %run_scoped3A = tpu.sem_alloc : memref<!tpu.dma_semaphore, #tpu.memory_space<semaphore_mem>>
        %dma_start3A_424 = arith.constant 0 : i32
        %dma_start3A_425 = arith.constant 0 : i32
        %dma_start3A_426 = tpu.memref_slice %arg25[%dma_start3A_424, %dma_start3A_425] : memref<10240x128xf32, #tpu.memory_space<vmem_shared>> -> memref<10240x128xf32, #tpu.memory_space<vmem_shared>>
        tpu.enqueue_indirect_dma source(%arg11 : memref<80x128xf32, #tpu.memory_space<vmem>>) target(%dma_start3A_426 : memref<10240x128xf32, #tpu.memory_space<vmem_shared>>) offsets(%arg23 : memref<80xi32, #tpu.memory_space<vmem>>) semaphore(%run_scoped3A : memref<!tpu.dma_semaphore, #tpu.memory_space<semaphore_mem>>) {add = true}
        %dma_wait3A_427 = arith.constant 0 : i32
        %dma_wait3A_428 = arith.constant 0 : i32
        %dma_wait3A_429 = tpu.memref_slice %arg25[%dma_wait3A_427, %dma_wait3A_428] : memref<10240x128xf32, #tpu.memory_space<vmem_shared>> -> memref<10240x128xf32, #tpu.memory_space<vmem_shared>>
        tpu.wait_indirect_dma semaphore(%run_scoped3A : memref<!tpu.dma_semaphore, #tpu.memory_space<semaphore_mem>>) src(%arg11 : memref<80x128xf32, #tpu.memory_space<vmem>>) dst(%dma_wait3A_429 : memref<10240x128xf32, #tpu.memory_space<vmem_shared>>)
        tpu.yield
      }) : () -> ()
      %get3A_394 = arith.constant 0 : index
      %get3A_395 = tpu.vector_load %arg23[%get3A_394] {strides = array<i32>} : memref<80xi32, #tpu.memory_space<vmem>>, vector<16xi32>,
      tpu.vector_store_idx %arg24[%get3A_395], %broadcast_in_dim3A_1 {add = true} : memref<10000xf32, #tpu.memory_space<vmem>>[vector<16xi32>], vector<16xf32>,
      %get3A_396 = arith.constant 16 : index
      %get3A_397 = tpu.vector_load %arg23[%get3A_396] {strides = array<i32>} : memref<80xi32, #tpu.memory_space<vmem>>, vector<16xi32>,
      tpu.vector_store_idx %arg24[%get3A_397], %broadcast_in_dim3A_1 {add = true} : memref<10000xf32, #tpu.memory_space<vmem>>[vector<16xi32>], vector<16xf32>,
      %get3A_398 = arith.constant 32 : index
      %get3A_399 = tpu.vector_load %arg23[%get3A_398] {strides = array<i32>} : memref<80xi32, #tpu.memory_space<vmem>>, vector<16xi32>,
      tpu.vector_store_idx %arg24[%get3A_399], %broadcast_in_dim3A_1 {add = true} : memref<10000xf32, #tpu.memory_space<vmem>>[vector<16xi32>], vector<16xf32>,
      %get3A_400 = arith.constant 48 : index
      %get3A_401 = tpu.vector_load %arg23[%get3A_400] {strides = array<i32>} : memref<80xi32, #tpu.memory_space<vmem>>, vector<16xi32>,
      tpu.vector_store_idx %arg24[%get3A_401], %broadcast_in_dim3A_1 {add = true} : memref<10000xf32, #tpu.memory_space<vmem>>[vector<16xi32>], vector<16xf32>,
      %get3A_402 = arith.constant 64 : index
      %get3A_403 = tpu.vector_load %arg23[%get3A_402] {strides = array<i32>} : memref<80xi32, #tpu.memory_space<vmem>>, vector<16xi32>,
      tpu.vector_store_idx %arg24[%get3A_403], %broadcast_in_dim3A_1 {add = true} : memref<10000xf32, #tpu.memory_space<vmem>>[vector<16xi32>], vector<16xf32>,
      %add3A_404 = arith.constant 6 : i32
      %add3A_405 = arith.addi %add3A_390, %add3A_404 : i32
      %lt3A_406 = arith.constant 125 : i32
      %lt3A_407 = arith.cmpi slt, %add3A_405, %lt3A_406 : i32
      %convert_element_type3A_408 = arith.extui %lt3A_407 : i1 to i32
      %cond3A_409 = arith.constant 0 : i32
      %cond3A_410 = arith.cmpi ne, %convert_element_type3A_408, %cond3A_409 : i32
      scf.if %cond3A_410 {
        %add3A_424 = arith.constant 6 : i32
        %add3A_425 = arith.addi %add3A_390, %add3A_424 : i32
        %mul3A_426 = arith.constant 80 : i32
        %mul3A_427 = arith.muli %add3A_425, %mul3A_426 : i32
        %add3A_428 = arith.addi %add3A, %mul3A_427 : i32
        %multiple_of3A_429 = tpu.assume_multiple %add3A_428, 8 : i32
        %dma_start3A_430 = tpu.memref_slice %arg3[%multiple_of3A_429] : memref<320000xi32, #tpu.memory_space<hbm>> -> memref<80xi32, #tpu.memory_space<hbm>>
        %dma_start3A_431 = tpu.memref_slice %arg3[%multiple_of3A_429] : memref<320000xi32, #tpu.memory_space<hbm>> -> memref<80xi32, #tpu.memory_space<hbm>>
        tpu.enqueue_dma source(%dma_start3A_431 : memref<80xi32, #tpu.memory_space<hbm>>) target(%arg17 : memref<80xi32, #tpu.memory_space<vmem>>) target_semaphore(%arg34 : memref<!tpu.dma_semaphore, #tpu.memory_space<semaphore_mem>>)
        %dma_start3A_432 = tpu.memref_slice %arg4[%multiple_of3A_429] : memref<320000xi32, #tpu.memory_space<hbm>> -> memref<80xi32, #tpu.memory_space<hbm>>
        %dma_start3A_433 = tpu.memref_slice %arg4[%multiple_of3A_429] : memref<320000xi32, #tpu.memory_space<hbm>> -> memref<80xi32, #tpu.memory_space<hbm>>
        tpu.enqueue_dma source(%dma_start3A_433 : memref<80xi32, #tpu.memory_space<hbm>>) target(%arg23 : memref<80xi32, #tpu.memory_space<vmem>>) target_semaphore(%arg34 : memref<!tpu.dma_semaphore, #tpu.memory_space<semaphore_mem>>)
      } else {
      }
      %add3A_411 = arith.constant 3 : i32
      %add3A_412 = arith.addi %add3A_390, %add3A_411 : i32
      %mul3A_413 = arith.constant 80 : i32
      %mul3A_414 = arith.muli %add3A_412, %mul3A_413 : i32
      %add3A_415 = arith.addi %add3A, %mul3A_414 : i32
      %multiple_of3A_416 = tpu.assume_multiple %add3A_415, 8 : i32
      %dma_wait3A_417 = tpu.memref_slice %arg3[%multiple_of3A_416] : memref<320000xi32, #tpu.memory_space<hbm>> -> memref<80xi32, #tpu.memory_space<hbm>>
      %dma_wait3A_418 = tpu.memref_slice %arg3[%multiple_of3A_416] : memref<320000xi32, #tpu.memory_space<hbm>> -> memref<80xi32, #tpu.memory_space<hbm>>
      tpu.wait_dma2 semaphore(%arg31 : memref<!tpu.dma_semaphore, #tpu.memory_space<semaphore_mem>>) src(%dma_wait3A_418 : memref<80xi32, #tpu.memory_space<hbm>>) dst(%arg14 : memref<80xi32, #tpu.memory_space<vmem>>)
      %dma_wait3A_419 = tpu.memref_slice %arg4[%multiple_of3A_416] : memref<320000xi32, #tpu.memory_space<hbm>> -> memref<80xi32, #tpu.memory_space<hbm>>
      %dma_wait3A_420 = tpu.memref_slice %arg4[%multiple_of3A_416] : memref<320000xi32, #tpu.memory_space<hbm>> -> memref<80xi32, #tpu.memory_space<hbm>>
      tpu.wait_dma2 semaphore(%arg31 : memref<!tpu.dma_semaphore, #tpu.memory_space<semaphore_mem>>) src(%dma_wait3A_420 : memref<80xi32, #tpu.memory_space<hbm>>) dst(%arg20 : memref<80xi32, #tpu.memory_space<vmem>>)
      %dma_start3A_421 = arith.constant 0 : i32
      %dma_start3A_422 = arith.constant 0 : i32
      %dma_start3A_423 = tpu.memref_slice %arg2[%dma_start3A_421, %dma_start3A_422] : memref<10000x128xf32, #tpu.memory_space<hbm>> -> memref<10000x128xf32, #tpu.memory_space<hbm>>
      tpu.enqueue_indirect_dma source(%dma_start3A_423 : memref<10000x128xf32, #tpu.memory_space<hbm>>) target(%arg11 : memref<80x128xf32, #tpu.memory_space<vmem>>) offsets(%arg14 : memref<80xi32, #tpu.memory_space<vmem>>) semaphore(%arg28 : memref<!tpu.dma_semaphore, #tpu.memory_space<semaphore_mem>>)
    }
    %scan3A_102 = arith.constant 20 : i32
    %dma_wait3A_103 = arith.constant 0 : i32
    %dma_wait3A_104 = arith.constant 0 : i32
    %dma_wait3A_105 = tpu.memref_slice %arg2[%dma_wait3A_103, %dma_wait3A_104] : memref<10000x128xf32, #tpu.memory_space<hbm>> -> memref<10000x128xf32, #tpu.memory_space<hbm>>
    tpu.wait_indirect_dma semaphore(%arg26 : memref<!tpu.dma_semaphore, #tpu.memory_space<semaphore_mem>>) src(%dma_wait3A_105 : memref<10000x128xf32, #tpu.memory_space<hbm>>) dst(%arg9 : memref<80x128xf32, #tpu.memory_space<vmem>>)
    "tpu.region"() ({
      %run_scoped3A = tpu.sem_alloc : memref<!tpu.dma_semaphore, #tpu.memory_space<semaphore_mem>>
      %dma_start3A_212 = arith.constant 0 : i32
      %dma_start3A_213 = arith.constant 0 : i32
      %dma_start3A_214 = tpu.memref_slice %arg25[%dma_start3A_212, %dma_start3A_213] : memref<10240x128xf32, #tpu.memory_space<vmem_shared>> -> memref<10240x128xf32, #tpu.memory_space<vmem_shared>>
      tpu.enqueue_indirect_dma source(%arg9 : memref<80x128xf32, #tpu.memory_space<vmem>>) target(%dma_start3A_214 : memref<10240x128xf32, #tpu.memory_space<vmem_shared>>) offsets(%arg18 : memref<80xi32, #tpu.memory_space<vmem>>) semaphore(%run_scoped3A : memref<!tpu.dma_semaphore, #tpu.memory_space<semaphore_mem>>) {add = true}
      %dma_wait3A_215 = arith.constant 0 : i32
      %dma_wait3A_216 = arith.constant 0 : i32
      %dma_wait3A_217 = tpu.memref_slice %arg25[%dma_wait3A_215, %dma_wait3A_216] : memref<10240x128xf32, #tpu.memory_space<vmem_shared>> -> memref<10240x128xf32, #tpu.memory_space<vmem_shared>>
      tpu.wait_indirect_dma semaphore(%run_scoped3A : memref<!tpu.dma_semaphore, #tpu.memory_space<semaphore_mem>>) src(%arg9 : memref<80x128xf32, #tpu.memory_space<vmem>>) dst(%dma_wait3A_217 : memref<10240x128xf32, #tpu.memory_space<vmem_shared>>)
      tpu.yield
    }) : () -> ()
    %get3A = arith.constant 0 : index
    %get3A_106 = tpu.vector_load %arg18[%get3A] {strides = array<i32>} : memref<80xi32, #tpu.memory_space<vmem>>, vector<16xi32>,
    tpu.vector_store_idx %arg24[%get3A_106], %broadcast_in_dim3A_1 {add = true} : memref<10000xf32, #tpu.memory_space<vmem>>[vector<16xi32>], vector<16xf32>,
    %get3A_107 = arith.constant 16 : index
    %get3A_108 = tpu.vector_load %arg18[%get3A_107] {strides = array<i32>} : memref<80xi32, #tpu.memory_space<vmem>>, vector<16xi32>,
    tpu.vector_store_idx %arg24[%get3A_108], %broadcast_in_dim3A_1 {add = true} : memref<10000xf32, #tpu.memory_space<vmem>>[vector<16xi32>], vector<16xf32>,
    %get3A_109 = arith.constant 32 : index
    %get3A_110 = tpu.vector_load %arg18[%get3A_109] {strides = array<i32>} : memref<80xi32, #tpu.memory_space<vmem>>, vector<16xi32>,
    tpu.vector_store_idx %arg24[%get3A_110], %broadcast_in_dim3A_1 {add = true} : memref<10000xf32, #tpu.memory_space<vmem>>[vector<16xi32>], vector<16xf32>,
    %get3A_111 = arith.constant 48 : index
    %get3A_112 = tpu.vector_load %arg18[%get3A_111] {strides = array<i32>} : memref<80xi32, #tpu.memory_space<vmem>>, vector<16xi32>,
    tpu.vector_store_idx %arg24[%get3A_112], %broadcast_in_dim3A_1 {add = true} : memref<10000xf32, #tpu.memory_space<vmem>>[vector<16xi32>], vector<16xf32>,
    %get3A_113 = arith.constant 64 : index
    %get3A_114 = tpu.vector_load %arg18[%get3A_113] {strides = array<i32>} : memref<80xi32, #tpu.memory_space<vmem>>, vector<16xi32>,
    tpu.vector_store_idx %arg24[%get3A_114], %broadcast_in_dim3A_1 {add = true} : memref<10000xf32, #tpu.memory_space<vmem>>[vector<16xi32>], vector<16xf32>,
    %add3A_115 = arith.constant 9840 : i32
    %add3A_116 = arith.addi %add3A, %add3A_115 : i32
    %multiple_of3A_117 = tpu.assume_multiple %add3A_116, 8 : i32
    %dma_wait3A_118 = tpu.memref_slice %arg3[%multiple_of3A_117] : memref<320000xi32, #tpu.memory_space<hbm>> -> memref<80xi32, #tpu.memory_space<hbm>>
    %dma_wait3A_119 = tpu.memref_slice %arg3[%multiple_of3A_117] : memref<320000xi32, #tpu.memory_space<hbm>> -> memref<80xi32, #tpu.memory_space<hbm>>
    tpu.wait_dma2 semaphore(%arg32 : memref<!tpu.dma_semaphore, #tpu.memory_space<semaphore_mem>>) src(%dma_wait3A_119 : memref<80xi32, #tpu.memory_space<hbm>>) dst(%arg15 : memref<80xi32, #tpu.memory_space<vmem>>)
    %dma_wait3A_120 = tpu.memref_slice %arg4[%multiple_of3A_117] : memref<320000xi32, #tpu.memory_space<hbm>> -> memref<80xi32, #tpu.memory_space<hbm>>
    %dma_wait3A_121 = tpu.memref_slice %arg4[%multiple_of3A_117] : memref<320000xi32, #tpu.memory_space<hbm>> -> memref<80xi32, #tpu.memory_space<hbm>>
    tpu.wait_dma2 semaphore(%arg32 : memref<!tpu.dma_semaphore, #tpu.memory_space<semaphore_mem>>) src(%dma_wait3A_121 : memref<80xi32, #tpu.memory_space<hbm>>) dst(%arg21 : memref<80xi32, #tpu.memory_space<vmem>>)
    %dma_start3A_122 = arith.constant 0 : i32
    %dma_start3A_123 = arith.constant 0 : i32
    %dma_start3A_124 = tpu.memref_slice %arg2[%dma_start3A_122, %dma_start3A_123] : memref<10000x128xf32, #tpu.memory_space<hbm>> -> memref<10000x128xf32, #tpu.memory_space<hbm>>
    tpu.enqueue_indirect_dma source(%dma_start3A_124 : memref<10000x128xf32, #tpu.memory_space<hbm>>) target(%arg9 : memref<80x128xf32, #tpu.memory_space<vmem>>) offsets(%arg15 : memref<80xi32, #tpu.memory_space<vmem>>) semaphore(%arg26 : memref<!tpu.dma_semaphore, #tpu.memory_space<semaphore_mem>>)
    %dma_wait3A_125 = arith.constant 0 : i32
    %dma_wait3A_126 = arith.constant 0 : i32
    %dma_wait3A_127 = tpu.memref_slice %arg2[%dma_wait3A_125, %dma_wait3A_126] : memref<10000x128xf32, #tpu.memory_space<hbm>> -> memref<10000x128xf32, #tpu.memory_space<hbm>>
    tpu.wait_indirect_dma semaphore(%arg27 : memref<!tpu.dma_semaphore, #tpu.memory_space<semaphore_mem>>) src(%dma_wait3A_127 : memref<10000x128xf32, #tpu.memory_space<hbm>>) dst(%arg10 : memref<80x128xf32, #tpu.memory_space<vmem>>)
    "tpu.region"() ({
      %run_scoped3A = tpu.sem_alloc : memref<!tpu.dma_semaphore, #tpu.memory_space<semaphore_mem>>
      %dma_start3A_212 = arith.constant 0 : i32
      %dma_start3A_213 = arith.constant 0 : i32
      %dma_start3A_214 = tpu.memref_slice %arg25[%dma_start3A_212, %dma_start3A_213] : memref<10240x128xf32, #tpu.memory_space<vmem_shared>> -> memref<10240x128xf32, #tpu.memory_space<vmem_shared>>
      tpu.enqueue_indirect_dma source(%arg10 : memref<80x128xf32, #tpu.memory_space<vmem>>) target(%dma_start3A_214 : memref<10240x128xf32, #tpu.memory_space<vmem_shared>>) offsets(%arg19 : memref<80xi32, #tpu.memory_space<vmem>>) semaphore(%run_scoped3A : memref<!tpu.dma_semaphore, #tpu.memory_space<semaphore_mem>>) {add = true}
      %dma_wait3A_215 = arith.constant 0 : i32
      %dma_wait3A_216 = arith.constant 0 : i32
      %dma_wait3A_217 = tpu.memref_slice %arg25[%dma_wait3A_215, %dma_wait3A_216] : memref<10240x128xf32, #tpu.memory_space<vmem_shared>> -> memref<10240x128xf32, #tpu.memory_space<vmem_shared>>
      tpu.wait_indirect_dma semaphore(%run_scoped3A : memref<!tpu.dma_semaphore, #tpu.memory_space<semaphore_mem>>) src(%arg10 : memref<80x128xf32, #tpu.memory_space<vmem>>) dst(%dma_wait3A_217 : memref<10240x128xf32, #tpu.memory_space<vmem_shared>>)
      tpu.yield
    }) : () -> ()
    %get3A_128 = arith.constant 0 : index
    %get3A_129 = tpu.vector_load %arg19[%get3A_128] {strides = array<i32>} : memref<80xi32, #tpu.memory_space<vmem>>, vector<16xi32>,
    tpu.vector_store_idx %arg24[%get3A_129], %broadcast_in_dim3A_1 {add = true} : memref<10000xf32, #tpu.memory_space<vmem>>[vector<16xi32>], vector<16xf32>,
    %get3A_130 = arith.constant 16 : index
    %get3A_131 = tpu.vector_load %arg19[%get3A_130] {strides = array<i32>} : memref<80xi32, #tpu.memory_space<vmem>>, vector<16xi32>,
    tpu.vector_store_idx %arg24[%get3A_131], %broadcast_in_dim3A_1 {add = true} : memref<10000xf32, #tpu.memory_space<vmem>>[vector<16xi32>], vector<16xf32>,
    %get3A_132 = arith.constant 32 : index
    %get3A_133 = tpu.vector_load %arg19[%get3A_132] {strides = array<i32>} : memref<80xi32, #tpu.memory_space<vmem>>, vector<16xi32>,
    tpu.vector_store_idx %arg24[%get3A_133], %broadcast_in_dim3A_1 {add = true} : memref<10000xf32, #tpu.memory_space<vmem>>[vector<16xi32>], vector<16xf32>,
    %get3A_134 = arith.constant 48 : index
    %get3A_135 = tpu.vector_load %arg19[%get3A_134] {strides = array<i32>} : memref<80xi32, #tpu.memory_space<vmem>>, vector<16xi32>,
    tpu.vector_store_idx %arg24[%get3A_135], %broadcast_in_dim3A_1 {add = true} : memref<10000xf32, #tpu.memory_space<vmem>>[vector<16xi32>], vector<16xf32>,
    %get3A_136 = arith.constant 64 : index
    %get3A_137 = tpu.vector_load %arg19[%get3A_136] {strides = array<i32>} : memref<80xi32, #tpu.memory_space<vmem>>, vector<16xi32>,
    tpu.vector_store_idx %arg24[%get3A_137], %broadcast_in_dim3A_1 {add = true} : memref<10000xf32, #tpu.memory_space<vmem>>[vector<16xi32>], vector<16xf32>,
    %add3A_138 = arith.constant 9920 : i32
    %add3A_139 = arith.addi %add3A, %add3A_138 : i32
    %multiple_of3A_140 = tpu.assume_multiple %add3A_139, 8 : i32
    %dma_wait3A_141 = tpu.memref_slice %arg3[%multiple_of3A_140] : memref<320000xi32, #tpu.memory_space<hbm>> -> memref<80xi32, #tpu.memory_space<hbm>>
    %dma_wait3A_142 = tpu.memref_slice %arg3[%multiple_of3A_140] : memref<320000xi32, #tpu.memory_space<hbm>> -> memref<80xi32, #tpu.memory_space<hbm>>
    tpu.wait_dma2 semaphore(%arg33 : memref<!tpu.dma_semaphore, #tpu.memory_space<semaphore_mem>>) src(%dma_wait3A_142 : memref<80xi32, #tpu.memory_space<hbm>>) dst(%arg16 : memref<80xi32, #tpu.memory_space<vmem>>)
    %dma_wait3A_143 = tpu.memref_slice %arg4[%multiple_of3A_140] : memref<320000xi32, #tpu.memory_space<hbm>> -> memref<80xi32, #tpu.memory_space<hbm>>
    %dma_wait3A_144 = tpu.memref_slice %arg4[%multiple_of3A_140] : memref<320000xi32, #tpu.memory_space<hbm>> -> memref<80xi32, #tpu.memory_space<hbm>>
    tpu.wait_dma2 semaphore(%arg33 : memref<!tpu.dma_semaphore, #tpu.memory_space<semaphore_mem>>) src(%dma_wait3A_144 : memref<80xi32, #tpu.memory_space<hbm>>) dst(%arg22 : memref<80xi32, #tpu.memory_space<vmem>>)
    %dma_start3A_145 = arith.constant 0 : i32
    %dma_start3A_146 = arith.constant 0 : i32
    %dma_start3A_147 = tpu.memref_slice %arg2[%dma_start3A_145, %dma_start3A_146] : memref<10000x128xf32, #tpu.memory_space<hbm>> -> memref<10000x128xf32, #tpu.memory_space<hbm>>
    tpu.enqueue_indirect_dma source(%dma_start3A_147 : memref<10000x128xf32, #tpu.memory_space<hbm>>) target(%arg10 : memref<80x128xf32, #tpu.memory_space<vmem>>) offsets(%arg16 : memref<80xi32, #tpu.memory_space<vmem>>) semaphore(%arg27 : memref<!tpu.dma_semaphore, #tpu.memory_space<semaphore_mem>>)
    %dma_wait3A_148 = arith.constant 0 : i32
    %dma_wait3A_149 = arith.constant 0 : i32
    %dma_wait3A_150 = tpu.memref_slice %arg2[%dma_wait3A_148, %dma_wait3A_149] : memref<10000x128xf32, #tpu.memory_space<hbm>> -> memref<10000x128xf32, #tpu.memory_space<hbm>>
    tpu.wait_indirect_dma semaphore(%arg28 : memref<!tpu.dma_semaphore, #tpu.memory_space<semaphore_mem>>) src(%dma_wait3A_150 : memref<10000x128xf32, #tpu.memory_space<hbm>>) dst(%arg11 : memref<80x128xf32, #tpu.memory_space<vmem>>)
    "tpu.region"() ({
      %run_scoped3A = tpu.sem_alloc : memref<!tpu.dma_semaphore, #tpu.memory_space<semaphore_mem>>
      %dma_start3A_212 = arith.constant 0 : i32
      %dma_start3A_213 = arith.constant 0 : i32
      %dma_start3A_214 = tpu.memref_slice %arg25[%dma_start3A_212, %dma_start3A_213] : memref<10240x128xf32, #tpu.memory_space<vmem_shared>> -> memref<10240x128xf32, #tpu.memory_space<vmem_shared>>
      tpu.enqueue_indirect_dma source(%arg11 : memref<80x128xf32, #tpu.memory_space<vmem>>) target(%dma_start3A_214 : memref<10240x128xf32, #tpu.memory_space<vmem_shared>>) offsets(%arg20 : memref<80xi32, #tpu.memory_space<vmem>>) semaphore(%run_scoped3A : memref<!tpu.dma_semaphore, #tpu.memory_space<semaphore_mem>>) {add = true}
      %dma_wait3A_215 = arith.constant 0 : i32
      %dma_wait3A_216 = arith.constant 0 : i32
      %dma_wait3A_217 = tpu.memref_slice %arg25[%dma_wait3A_215, %dma_wait3A_216] : memref<10240x128xf32, #tpu.memory_space<vmem_shared>> -> memref<10240x128xf32, #tpu.memory_space<vmem_shared>>
      tpu.wait_indirect_dma semaphore(%run_scoped3A : memref<!tpu.dma_semaphore, #tpu.memory_space<semaphore_mem>>) src(%arg11 : memref<80x128xf32, #tpu.memory_space<vmem>>) dst(%dma_wait3A_217 : memref<10240x128xf32, #tpu.memory_space<vmem_shared>>)
      tpu.yield
    }) : () -> ()
    %get3A_151 = arith.constant 0 : index
    %get3A_152 = tpu.vector_load %arg20[%get3A_151] {strides = array<i32>} : memref<80xi32, #tpu.memory_space<vmem>>, vector<16xi32>,
    tpu.vector_store_idx %arg24[%get3A_152], %broadcast_in_dim3A_1 {add = true} : memref<10000xf32, #tpu.memory_space<vmem>>[vector<16xi32>], vector<16xf32>,
    %get3A_153 = arith.constant 16 : index
    %get3A_154 = tpu.vector_load %arg20[%get3A_153] {strides = array<i32>} : memref<80xi32, #tpu.memory_space<vmem>>, vector<16xi32>,
    tpu.vector_store_idx %arg24[%get3A_154], %broadcast_in_dim3A_1 {add = true} : memref<10000xf32, #tpu.memory_space<vmem>>[vector<16xi32>], vector<16xf32>,
    %get3A_155 = arith.constant 32 : index
    %get3A_156 = tpu.vector_load %arg20[%get3A_155] {strides = array<i32>} : memref<80xi32, #tpu.memory_space<vmem>>, vector<16xi32>,
    tpu.vector_store_idx %arg24[%get3A_156], %broadcast_in_dim3A_1 {add = true} : memref<10000xf32, #tpu.memory_space<vmem>>[vector<16xi32>], vector<16xf32>,
    %get3A_157 = arith.constant 48 : index
    %get3A_158 = tpu.vector_load %arg20[%get3A_157] {strides = array<i32>} : memref<80xi32, #tpu.memory_space<vmem>>, vector<16xi32>,
    tpu.vector_store_idx %arg24[%get3A_158], %broadcast_in_dim3A_1 {add = true} : memref<10000xf32, #tpu.memory_space<vmem>>[vector<16xi32>], vector<16xf32>,
    %get3A_159 = arith.constant 64 : index
    %get3A_160 = tpu.vector_load %arg20[%get3A_159] {strides = array<i32>} : memref<80xi32, #tpu.memory_space<vmem>>, vector<16xi32>,
    tpu.vector_store_idx %arg24[%get3A_160], %broadcast_in_dim3A_1 {add = true} : memref<10000xf32, #tpu.memory_space<vmem>>[vector<16xi32>], vector<16xf32>,
    %dma_wait3A_161 = arith.constant 0 : i32
    %dma_wait3A_162 = arith.constant 0 : i32
    %dma_wait3A_163 = tpu.memref_slice %arg2[%dma_wait3A_161, %dma_wait3A_162] : memref<10000x128xf32, #tpu.memory_space<hbm>> -> memref<10000x128xf32, #tpu.memory_space<hbm>>
    tpu.wait_indirect_dma semaphore(%arg26 : memref<!tpu.dma_semaphore, #tpu.memory_space<semaphore_mem>>) src(%dma_wait3A_163 : memref<10000x128xf32, #tpu.memory_space<hbm>>) dst(%arg9 : memref<80x128xf32, #tpu.memory_space<vmem>>)
    "tpu.region"() ({
      %run_scoped3A = tpu.sem_alloc : memref<!tpu.dma_semaphore, #tpu.memory_space<semaphore_mem>>
      %dma_start3A_212 = arith.constant 0 : i32
      %dma_start3A_213 = arith.constant 0 : i32
      %dma_start3A_214 = tpu.memref_slice %arg25[%dma_start3A_212, %dma_start3A_213] : memref<10240x128xf32, #tpu.memory_space<vmem_shared>> -> memref<10240x128xf32, #tpu.memory_space<vmem_shared>>
      tpu.enqueue_indirect_dma source(%arg9 : memref<80x128xf32, #tpu.memory_space<vmem>>) target(%dma_start3A_214 : memref<10240x128xf32, #tpu.memory_space<vmem_shared>>) offsets(%arg21 : memref<80xi32, #tpu.memory_space<vmem>>) semaphore(%run_scoped3A : memref<!tpu.dma_semaphore, #tpu.memory_space<semaphore_mem>>) {add = true}
      %dma_wait3A_215 = arith.constant 0 : i32
      %dma_wait3A_216 = arith.constant 0 : i32
      %dma_wait3A_217 = tpu.memref_slice %arg25[%dma_wait3A_215, %dma_wait3A_216] : memref<10240x128xf32, #tpu.memory_space<vmem_shared>> -> memref<10240x128xf32, #tpu.memory_space<vmem_shared>>
      tpu.wait_indirect_dma semaphore(%run_scoped3A : memref<!tpu.dma_semaphore, #tpu.memory_space<semaphore_mem>>) src(%arg9 : memref<80x128xf32, #tpu.memory_space<vmem>>) dst(%dma_wait3A_217 : memref<10240x128xf32, #tpu.memory_space<vmem_shared>>)
      tpu.yield
    }) : () -> ()
    %get3A_164 = arith.constant 0 : index
    %get3A_165 = tpu.vector_load %arg21[%get3A_164] {strides = array<i32>} : memref<80xi32, #tpu.memory_space<vmem>>, vector<16xi32>,
    tpu.vector_store_idx %arg24[%get3A_165], %broadcast_in_dim3A_1 {add = true} : memref<10000xf32, #tpu.memory_space<vmem>>[vector<16xi32>], vector<16xf32>,
    %get3A_166 = arith.constant 16 : index
    %get3A_167 = tpu.vector_load %arg21[%get3A_166] {strides = array<i32>} : memref<80xi32, #tpu.memory_space<vmem>>, vector<16xi32>,
    tpu.vector_store_idx %arg24[%get3A_167], %broadcast_in_dim3A_1 {add = true} : memref<10000xf32, #tpu.memory_space<vmem>>[vector<16xi32>], vector<16xf32>,
    %get3A_168 = arith.constant 32 : index
    %get3A_169 = tpu.vector_load %arg21[%get3A_168] {strides = array<i32>} : memref<80xi32, #tpu.memory_space<vmem>>, vector<16xi32>,
    tpu.vector_store_idx %arg24[%get3A_169], %broadcast_in_dim3A_1 {add = true} : memref<10000xf32, #tpu.memory_space<vmem>>[vector<16xi32>], vector<16xf32>,
    %get3A_170 = arith.constant 48 : index
    %get3A_171 = tpu.vector_load %arg21[%get3A_170] {strides = array<i32>} : memref<80xi32, #tpu.memory_space<vmem>>, vector<16xi32>,
    tpu.vector_store_idx %arg24[%get3A_171], %broadcast_in_dim3A_1 {add = true} : memref<10000xf32, #tpu.memory_space<vmem>>[vector<16xi32>], vector<16xf32>,
    %get3A_172 = arith.constant 64 : index
    %get3A_173 = tpu.vector_load %arg21[%get3A_172] {strides = array<i32>} : memref<80xi32, #tpu.memory_space<vmem>>, vector<16xi32>,
    tpu.vector_store_idx %arg24[%get3A_173], %broadcast_in_dim3A_1 {add = true} : memref<10000xf32, #tpu.memory_space<vmem>>[vector<16xi32>], vector<16xf32>,
    %dma_wait3A_174 = arith.constant 0 : i32
    %dma_wait3A_175 = arith.constant 0 : i32
    %dma_wait3A_176 = tpu.memref_slice %arg2[%dma_wait3A_174, %dma_wait3A_175] : memref<10000x128xf32, #tpu.memory_space<hbm>> -> memref<10000x128xf32, #tpu.memory_space<hbm>>
    tpu.wait_indirect_dma semaphore(%arg27 : memref<!tpu.dma_semaphore, #tpu.memory_space<semaphore_mem>>) src(%dma_wait3A_176 : memref<10000x128xf32, #tpu.memory_space<hbm>>) dst(%arg10 : memref<80x128xf32, #tpu.memory_space<vmem>>)
    "tpu.region"() ({
      %run_scoped3A = tpu.sem_alloc : memref<!tpu.dma_semaphore, #tpu.memory_space<semaphore_mem>>
      %dma_start3A_212 = arith.constant 0 : i32
      %dma_start3A_213 = arith.constant 0 : i32
      %dma_start3A_214 = tpu.memref_slice %arg25[%dma_start3A_212, %dma_start3A_213] : memref<10240x128xf32, #tpu.memory_space<vmem_shared>> -> memref<10240x128xf32, #tpu.memory_space<vmem_shared>>
      tpu.enqueue_indirect_dma source(%arg10 : memref<80x128xf32, #tpu.memory_space<vmem>>) target(%dma_start3A_214 : memref<10240x128xf32, #tpu.memory_space<vmem_shared>>) offsets(%arg22 : memref<80xi32, #tpu.memory_space<vmem>>) semaphore(%run_scoped3A : memref<!tpu.dma_semaphore, #tpu.memory_space<semaphore_mem>>) {add = true}
      %dma_wait3A_215 = arith.constant 0 : i32
      %dma_wait3A_216 = arith.constant 0 : i32
      %dma_wait3A_217 = tpu.memref_slice %arg25[%dma_wait3A_215, %dma_wait3A_216] : memref<10240x128xf32, #tpu.memory_space<vmem_shared>> -> memref<10240x128xf32, #tpu.memory_space<vmem_shared>>
      tpu.wait_indirect_dma semaphore(%run_scoped3A : memref<!tpu.dma_semaphore, #tpu.memory_space<semaphore_mem>>) src(%arg10 : memref<80x128xf32, #tpu.memory_space<vmem>>) dst(%dma_wait3A_217 : memref<10240x128xf32, #tpu.memory_space<vmem_shared>>)
      tpu.yield
    }) : () -> ()
    %get3A_177 = arith.constant 0 : index
    %get3A_178 = tpu.vector_load %arg22[%get3A_177] {strides = array<i32>} : memref<80xi32, #tpu.memory_space<vmem>>, vector<16xi32>,
    tpu.vector_store_idx %arg24[%get3A_178], %broadcast_in_dim3A_1 {add = true} : memref<10000xf32, #tpu.memory_space<vmem>>[vector<16xi32>], vector<16xf32>,
    %get3A_179 = arith.constant 16 : index
    %get3A_180 = tpu.vector_load %arg22[%get3A_179] {strides = array<i32>} : memref<80xi32, #tpu.memory_space<vmem>>, vector<16xi32>,
    tpu.vector_store_idx %arg24[%get3A_180], %broadcast_in_dim3A_1 {add = true} : memref<10000xf32, #tpu.memory_space<vmem>>[vector<16xi32>], vector<16xf32>,
    %get3A_181 = arith.constant 32 : index
    %get3A_182 = tpu.vector_load %arg22[%get3A_181] {strides = array<i32>} : memref<80xi32, #tpu.memory_space<vmem>>, vector<16xi32>,
    tpu.vector_store_idx %arg24[%get3A_182], %broadcast_in_dim3A_1 {add = true} : memref<10000xf32, #tpu.memory_space<vmem>>[vector<16xi32>], vector<16xf32>,
    %get3A_183 = arith.constant 48 : index
    %get3A_184 = tpu.vector_load %arg22[%get3A_183] {strides = array<i32>} : memref<80xi32, #tpu.memory_space<vmem>>, vector<16xi32>,
    tpu.vector_store_idx %arg24[%get3A_184], %broadcast_in_dim3A_1 {add = true} : memref<10000xf32, #tpu.memory_space<vmem>>[vector<16xi32>], vector<16xf32>,
    %get3A_185 = arith.constant 64 : index
    %get3A_186 = tpu.vector_load %arg22[%get3A_185] {strides = array<i32>} : memref<80xi32, #tpu.memory_space<vmem>>, vector<16xi32>,
    tpu.vector_store_idx %arg24[%get3A_186], %broadcast_in_dim3A_1 {add = true} : memref<10000xf32, #tpu.memory_space<vmem>>[vector<16xi32>], vector<16xf32>,
    %barrier3A_187 = arith.constant 0 : index
    tpu.barrier barrier_id(%barrier3A_187)
    %add3A_188 = arith.constant 0 : i32
    %add3A_189 = arith.addi %mul3A_0, %add3A_188 : i32
    %multiple_of3A_190 = tpu.assume_multiple %add3A_189, 8 : i32
    "tpu.region"() ({
      %run_scoped3A = tpu.sem_alloc : memref<!tpu.dma_semaphore, #tpu.memory_space<semaphore_mem>>
      %dma_start3A_212 = arith.constant 0 : i32
      %dma_start3A_213 = tpu.memref_slice %arg25[%multiple_of3A_190, %dma_start3A_212] : memref<10240x128xf32, #tpu.memory_space<vmem_shared>> -> memref<80x128xf32, #tpu.memory_space<vmem_shared>>
      %dma_start3A_214 = arith.constant 0 : i32
      %dma_start3A_215 = tpu.memref_slice %arg25[%multiple_of3A_190, %dma_start3A_214] : memref<10240x128xf32, #tpu.memory_space<vmem_shared>> -> memref<80x128xf32, #tpu.memory_space<vmem_shared>>
      tpu.enqueue_dma source(%dma_start3A_215 : memref<80x128xf32, #tpu.memory_space<vmem_shared>>) target(%arg9 : memref<80x128xf32, #tpu.memory_space<vmem>>) target_semaphore(%run_scoped3A : memref<!tpu.dma_semaphore, #tpu.memory_space<semaphore_mem>>)
      %dma_wait3A_216 = arith.constant 0 : i32
      %dma_wait3A_217 = tpu.memref_slice %arg25[%multiple_of3A_190, %dma_wait3A_216] : memref<10240x128xf32, #tpu.memory_space<vmem_shared>> -> memref<80x128xf32, #tpu.memory_space<vmem_shared>>
      %dma_wait3A_218 = arith.constant 0 : i32
      %dma_wait3A_219 = tpu.memref_slice %arg25[%multiple_of3A_190, %dma_wait3A_218] : memref<10240x128xf32, #tpu.memory_space<vmem_shared>> -> memref<80x128xf32, #tpu.memory_space<vmem_shared>>
      tpu.wait_dma2 semaphore(%run_scoped3A : memref<!tpu.dma_semaphore, #tpu.memory_space<semaphore_mem>>) src(%dma_wait3A_219 : memref<80x128xf32, #tpu.memory_space<vmem_shared>>) dst(%arg9 : memref<80x128xf32, #tpu.memory_space<vmem>>)
      tpu.yield
    }) : () -> ()
    "tpu.region"() ({
      %run_scoped3A = tpu.sem_alloc : memref<!tpu.dma_semaphore, #tpu.memory_space<semaphore_mem>>
      %dma_start3A_212 = arith.constant 0 : i32
      %dma_start3A_213 = tpu.memref_slice %arg7[%arg0, %multiple_of3A_190, %dma_start3A_212] : memref<2x10240x128xf32, #tpu.memory_space<hbm>> -> memref<1x80x128xf32, #tpu.memory_space<hbm>>
      %dma_start3A_214 = tpu.memref_squeeze %dma_start3A_213 : memref<1x80x128xf32, #tpu.memory_space<hbm>> -> memref<80x128xf32, #tpu.memory_space<hbm>>
      %dma_start3A_215 = arith.constant 0 : i32
      %dma_start3A_216 = tpu.memref_slice %arg7[%arg0, %multiple_of3A_190, %dma_start3A_215] : memref<2x10240x128xf32, #tpu.memory_space<hbm>> -> memref<1x80x128xf32, #tpu.memory_space<hbm>>
      %dma_start3A_217 = tpu.memref_squeeze %dma_start3A_216 : memref<1x80x128xf32, #tpu.memory_space<hbm>> -> memref<80x128xf32, #tpu.memory_space<hbm>>
      tpu.enqueue_dma source(%arg9 : memref<80x128xf32, #tpu.memory_space<vmem>>) target(%dma_start3A_217 : memref<80x128xf32, #tpu.memory_space<hbm>>) target_semaphore(%run_scoped3A : memref<!tpu.dma_semaphore, #tpu.memory_space<semaphore_mem>>)
      %dma_wait3A_218 = arith.constant 0 : i32
      %dma_wait3A_219 = tpu.memref_slice %arg7[%arg0, %multiple_of3A_190, %dma_wait3A_218] : memref<2x10240x128xf32, #tpu.memory_space<hbm>> -> memref<1x80x128xf32, #tpu.memory_space<hbm>>
      %dma_wait3A_220 = tpu.memref_squeeze %dma_wait3A_219 : memref<1x80x128xf32, #tpu.memory_space<hbm>> -> memref<80x128xf32, #tpu.memory_space<hbm>>
      %dma_wait3A_221 = arith.constant 0 : i32
      %dma_wait3A_222 = tpu.memref_slice %arg7[%arg0, %multiple_of3A_190, %dma_wait3A_221] : memref<2x10240x128xf32, #tpu.memory_space<hbm>> -> memref<1x80x128xf32, #tpu.memory_space<hbm>>
      %dma_wait3A_223 = tpu.memref_squeeze %dma_wait3A_222 : memref<1x80x128xf32, #tpu.memory_space<hbm>> -> memref<80x128xf32, #tpu.memory_space<hbm>>
      tpu.wait_dma2 semaphore(%run_scoped3A : memref<!tpu.dma_semaphore, #tpu.memory_space<semaphore_mem>>) src(%arg9 : memref<80x128xf32, #tpu.memory_space<vmem>>) dst(%dma_wait3A_223 : memref<80x128xf32, #tpu.memory_space<hbm>>)
      tpu.yield
    }) : () -> ()
    %add3A_191 = arith.constant 80 : i32
    %add3A_192 = arith.addi %mul3A_0, %add3A_191 : i32
    %multiple_of3A_193 = tpu.assume_multiple %add3A_192, 8 : i32
    "tpu.region"() ({
      %run_scoped3A = tpu.sem_alloc : memref<!tpu.dma_semaphore, #tpu.memory_space<semaphore_mem>>
      %dma_start3A_212 = arith.constant 0 : i32
      %dma_start3A_213 = tpu.memref_slice %arg25[%multiple_of3A_193, %dma_start3A_212] : memref<10240x128xf32, #tpu.memory_space<vmem_shared>> -> memref<80x128xf32, #tpu.memory_space<vmem_shared>>
      %dma_start3A_214 = arith.constant 0 : i32
      %dma_start3A_215 = tpu.memref_slice %arg25[%multiple_of3A_193, %dma_start3A_214] : memref<10240x128xf32, #tpu.memory_space<vmem_shared>> -> memref<80x128xf32, #tpu.memory_space<vmem_shared>>
      tpu.enqueue_dma source(%dma_start3A_215 : memref<80x128xf32, #tpu.memory_space<vmem_shared>>) target(%arg9 : memref<80x128xf32, #tpu.memory_space<vmem>>) target_semaphore(%run_scoped3A : memref<!tpu.dma_semaphore, #tpu.memory_space<semaphore_mem>>)
      %dma_wait3A_216 = arith.constant 0 : i32
      %dma_wait3A_217 = tpu.memref_slice %arg25[%multiple_of3A_193, %dma_wait3A_216] : memref<10240x128xf32, #tpu.memory_space<vmem_shared>> -> memref<80x128xf32, #tpu.memory_space<vmem_shared>>
      %dma_wait3A_218 = arith.constant 0 : i32
      %dma_wait3A_219 = tpu.memref_slice %arg25[%multiple_of3A_193, %dma_wait3A_218] : memref<10240x128xf32, #tpu.memory_space<vmem_shared>> -> memref<80x128xf32, #tpu.memory_space<vmem_shared>>
      tpu.wait_dma2 semaphore(%run_scoped3A : memref<!tpu.dma_semaphore, #tpu.memory_space<semaphore_mem>>) src(%dma_wait3A_219 : memref<80x128xf32, #tpu.memory_space<vmem_shared>>) dst(%arg9 : memref<80x128xf32, #tpu.memory_space<vmem>>)
      tpu.yield
    }) : () -> ()
    "tpu.region"() ({
      %run_scoped3A = tpu.sem_alloc : memref<!tpu.dma_semaphore, #tpu.memory_space<semaphore_mem>>
      %dma_start3A_212 = arith.constant 0 : i32
      %dma_start3A_213 = tpu.memref_slice %arg7[%arg0, %multiple_of3A_193, %dma_start3A_212] : memref<2x10240x128xf32, #tpu.memory_space<hbm>> -> memref<1x80x128xf32, #tpu.memory_space<hbm>>
      %dma_start3A_214 = tpu.memref_squeeze %dma_start3A_213 : memref<1x80x128xf32, #tpu.memory_space<hbm>> -> memref<80x128xf32, #tpu.memory_space<hbm>>
      %dma_start3A_215 = arith.constant 0 : i32
      %dma_start3A_216 = tpu.memref_slice %arg7[%arg0, %multiple_of3A_193, %dma_start3A_215] : memref<2x10240x128xf32, #tpu.memory_space<hbm>> -> memref<1x80x128xf32, #tpu.memory_space<hbm>>
      %dma_start3A_217 = tpu.memref_squeeze %dma_start3A_216 : memref<1x80x128xf32, #tpu.memory_space<hbm>> -> memref<80x128xf32, #tpu.memory_space<hbm>>
      tpu.enqueue_dma source(%arg9 : memref<80x128xf32, #tpu.memory_space<vmem>>) target(%dma_start3A_217 : memref<80x128xf32, #tpu.memory_space<hbm>>) target_semaphore(%run_scoped3A : memref<!tpu.dma_semaphore, #tpu.memory_space<semaphore_mem>>)
      %dma_wait3A_218 = arith.constant 0 : i32
      %dma_wait3A_219 = tpu.memref_slice %arg7[%arg0, %multiple_of3A_193, %dma_wait3A_218] : memref<2x10240x128xf32, #tpu.memory_space<hbm>> -> memref<1x80x128xf32, #tpu.memory_space<hbm>>
      %dma_wait3A_220 = tpu.memref_squeeze %dma_wait3A_219 : memref<1x80x128xf32, #tpu.memory_space<hbm>> -> memref<80x128xf32, #tpu.memory_space<hbm>>
      %dma_wait3A_221 = arith.constant 0 : i32
      %dma_wait3A_222 = tpu.memref_slice %arg7[%arg0, %multiple_of3A_193, %dma_wait3A_221] : memref<2x10240x128xf32, #tpu.memory_space<hbm>> -> memref<1x80x128xf32, #tpu.memory_space<hbm>>
      %dma_wait3A_223 = tpu.memref_squeeze %dma_wait3A_222 : memref<1x80x128xf32, #tpu.memory_space<hbm>> -> memref<80x128xf32, #tpu.memory_space<hbm>>
      tpu.wait_dma2 semaphore(%run_scoped3A : memref<!tpu.dma_semaphore, #tpu.memory_space<semaphore_mem>>) src(%arg9 : memref<80x128xf32, #tpu.memory_space<vmem>>) dst(%dma_wait3A_223 : memref<80x128xf32, #tpu.memory_space<hbm>>)
      tpu.yield
    }) : () -> ()
    %add3A_194 = arith.constant 160 : i32
    %add3A_195 = arith.addi %mul3A_0, %add3A_194 : i32
    %multiple_of3A_196 = tpu.assume_multiple %add3A_195, 8 : i32
    "tpu.region"() ({
      %run_scoped3A = tpu.sem_alloc : memref<!tpu.dma_semaphore, #tpu.memory_space<semaphore_mem>>
      %dma_start3A_212 = arith.constant 0 : i32
      %dma_start3A_213 = tpu.memref_slice %arg25[%multiple_of3A_196, %dma_start3A_212] : memref<10240x128xf32, #tpu.memory_space<vmem_shared>> -> memref<80x128xf32, #tpu.memory_space<vmem_shared>>
      %dma_start3A_214 = arith.constant 0 : i32
      %dma_start3A_215 = tpu.memref_slice %arg25[%multiple_of3A_196, %dma_start3A_214] : memref<10240x128xf32, #tpu.memory_space<vmem_shared>> -> memref<80x128xf32, #tpu.memory_space<vmem_shared>>
      tpu.enqueue_dma source(%dma_start3A_215 : memref<80x128xf32, #tpu.memory_space<vmem_shared>>) target(%arg9 : memref<80x128xf32, #tpu.memory_space<vmem>>) target_semaphore(%run_scoped3A : memref<!tpu.dma_semaphore, #tpu.memory_space<semaphore_mem>>)
      %dma_wait3A_216 = arith.constant 0 : i32
      %dma_wait3A_217 = tpu.memref_slice %arg25[%multiple_of3A_196, %dma_wait3A_216] : memref<10240x128xf32, #tpu.memory_space<vmem_shared>> -> memref<80x128xf32, #tpu.memory_space<vmem_shared>>
      %dma_wait3A_218 = arith.constant 0 : i32
      %dma_wait3A_219 = tpu.memref_slice %arg25[%multiple_of3A_196, %dma_wait3A_218] : memref<10240x128xf32, #tpu.memory_space<vmem_shared>> -> memref<80x128xf32, #tpu.memory_space<vmem_shared>>
      tpu.wait_dma2 semaphore(%run_scoped3A : memref<!tpu.dma_semaphore, #tpu.memory_space<semaphore_mem>>) src(%dma_wait3A_219 : memref<80x128xf32, #tpu.memory_space<vmem_shared>>) dst(%arg9 : memref<80x128xf32, #tpu.memory_space<vmem>>)
      tpu.yield
    }) : () -> ()
    "tpu.region"() ({
      %run_scoped3A = tpu.sem_alloc : memref<!tpu.dma_semaphore, #tpu.memory_space<semaphore_mem>>
      %dma_start3A_212 = arith.constant 0 : i32
      %dma_start3A_213 = tpu.memref_slice %arg7[%arg0, %multiple_of3A_196, %dma_start3A_212] : memref<2x10240x128xf32, #tpu.memory_space<hbm>> -> memref<1x80x128xf32, #tpu.memory_space<hbm>>
      %dma_start3A_214 = tpu.memref_squeeze %dma_start3A_213 : memref<1x80x128xf32, #tpu.memory_space<hbm>> -> memref<80x128xf32, #tpu.memory_space<hbm>>
      %dma_start3A_215 = arith.constant 0 : i32
      %dma_start3A_216 = tpu.memref_slice %arg7[%arg0, %multiple_of3A_196, %dma_start3A_215] : memref<2x10240x128xf32, #tpu.memory_space<hbm>> -> memref<1x80x128xf32, #tpu.memory_space<hbm>>
      %dma_start3A_217 = tpu.memref_squeeze %dma_start3A_216 : memref<1x80x128xf32, #tpu.memory_space<hbm>> -> memref<80x128xf32, #tpu.memory_space<hbm>>
      tpu.enqueue_dma source(%arg9 : memref<80x128xf32, #tpu.memory_space<vmem>>) target(%dma_start3A_217 : memref<80x128xf32, #tpu.memory_space<hbm>>) target_semaphore(%run_scoped3A : memref<!tpu.dma_semaphore, #tpu.memory_space<semaphore_mem>>)
      %dma_wait3A_218 = arith.constant 0 : i32
      %dma_wait3A_219 = tpu.memref_slice %arg7[%arg0, %multiple_of3A_196, %dma_wait3A_218] : memref<2x10240x128xf32, #tpu.memory_space<hbm>> -> memref<1x80x128xf32, #tpu.memory_space<hbm>>
      %dma_wait3A_220 = tpu.memref_squeeze %dma_wait3A_219 : memref<1x80x128xf32, #tpu.memory_space<hbm>> -> memref<80x128xf32, #tpu.memory_space<hbm>>
      %dma_wait3A_221 = arith.constant 0 : i32
      %dma_wait3A_222 = tpu.memref_slice %arg7[%arg0, %multiple_of3A_196, %dma_wait3A_221] : memref<2x10240x128xf32, #tpu.memory_space<hbm>> -> memref<1x80x128xf32, #tpu.memory_space<hbm>>
      %dma_wait3A_223 = tpu.memref_squeeze %dma_wait3A_222 : memref<1x80x128xf32, #tpu.memory_space<hbm>> -> memref<80x128xf32, #tpu.memory_space<hbm>>
      tpu.wait_dma2 semaphore(%run_scoped3A : memref<!tpu.dma_semaphore, #tpu.memory_space<semaphore_mem>>) src(%arg9 : memref<80x128xf32, #tpu.memory_space<vmem>>) dst(%dma_wait3A_223 : memref<80x128xf32, #tpu.memory_space<hbm>>)
      tpu.yield
    }) : () -> ()
    %add3A_197 = arith.constant 240 : i32
    %add3A_198 = arith.addi %mul3A_0, %add3A_197 : i32
    %multiple_of3A_199 = tpu.assume_multiple %add3A_198, 8 : i32
    "tpu.region"() ({
      %run_scoped3A = tpu.sem_alloc : memref<!tpu.dma_semaphore, #tpu.memory_space<semaphore_mem>>
      %dma_start3A_212 = arith.constant 0 : i32
      %dma_start3A_213 = tpu.memref_slice %arg25[%multiple_of3A_199, %dma_start3A_212] : memref<10240x128xf32, #tpu.memory_space<vmem_shared>> -> memref<80x128xf32, #tpu.memory_space<vmem_shared>>
      %dma_start3A_214 = arith.constant 0 : i32
      %dma_start3A_215 = tpu.memref_slice %arg25[%multiple_of3A_199, %dma_start3A_214] : memref<10240x128xf32, #tpu.memory_space<vmem_shared>> -> memref<80x128xf32, #tpu.memory_space<vmem_shared>>
      tpu.enqueue_dma source(%dma_start3A_215 : memref<80x128xf32, #tpu.memory_space<vmem_shared>>) target(%arg9 : memref<80x128xf32, #tpu.memory_space<vmem>>) target_semaphore(%run_scoped3A : memref<!tpu.dma_semaphore, #tpu.memory_space<semaphore_mem>>)
      %dma_wait3A_216 = arith.constant 0 : i32
      %dma_wait3A_217 = tpu.memref_slice %arg25[%multiple_of3A_199, %dma_wait3A_216] : memref<10240x128xf32, #tpu.memory_space<vmem_shared>> -> memref<80x128xf32, #tpu.memory_space<vmem_shared>>
      %dma_wait3A_218 = arith.constant 0 : i32
      %dma_wait3A_219 = tpu.memref_slice %arg25[%multiple_of3A_199, %dma_wait3A_218] : memref<10240x128xf32, #tpu.memory_space<vmem_shared>> -> memref<80x128xf32, #tpu.memory_space<vmem_shared>>
      tpu.wait_dma2 semaphore(%run_scoped3A : memref<!tpu.dma_semaphore, #tpu.memory_space<semaphore_mem>>) src(%dma_wait3A_219 : memref<80x128xf32, #tpu.memory_space<vmem_shared>>) dst(%arg9 : memref<80x128xf32, #tpu.memory_space<vmem>>)
      tpu.yield
    }) : () -> ()
    "tpu.region"() ({
      %run_scoped3A = tpu.sem_alloc : memref<!tpu.dma_semaphore, #tpu.memory_space<semaphore_mem>>
      %dma_start3A_212 = arith.constant 0 : i32
      %dma_start3A_213 = tpu.memref_slice %arg7[%arg0, %multiple_of3A_199, %dma_start3A_212] : memref<2x10240x128xf32, #tpu.memory_space<hbm>> -> memref<1x80x128xf32, #tpu.memory_space<hbm>>
      %dma_start3A_214 = tpu.memref_squeeze %dma_start3A_213 : memref<1x80x128xf32, #tpu.memory_space<hbm>> -> memref<80x128xf32, #tpu.memory_space<hbm>>
      %dma_start3A_215 = arith.constant 0 : i32
      %dma_start3A_216 = tpu.memref_slice %arg7[%arg0, %multiple_of3A_199, %dma_start3A_215] : memref<2x10240x128xf32, #tpu.memory_space<hbm>> -> memref<1x80x128xf32, #tpu.memory_space<hbm>>
      %dma_start3A_217 = tpu.memref_squeeze %dma_start3A_216 : memref<1x80x128xf32, #tpu.memory_space<hbm>> -> memref<80x128xf32, #tpu.memory_space<hbm>>
      tpu.enqueue_dma source(%arg9 : memref<80x128xf32, #tpu.memory_space<vmem>>) target(%dma_start3A_217 : memref<80x128xf32, #tpu.memory_space<hbm>>) target_semaphore(%run_scoped3A : memref<!tpu.dma_semaphore, #tpu.memory_space<semaphore_mem>>)
      %dma_wait3A_218 = arith.constant 0 : i32
      %dma_wait3A_219 = tpu.memref_slice %arg7[%arg0, %multiple_of3A_199, %dma_wait3A_218] : memref<2x10240x128xf32, #tpu.memory_space<hbm>> -> memref<1x80x128xf32, #tpu.memory_space<hbm>>
      %dma_wait3A_220 = tpu.memref_squeeze %dma_wait3A_219 : memref<1x80x128xf32, #tpu.memory_space<hbm>> -> memref<80x128xf32, #tpu.memory_space<hbm>>
      %dma_wait3A_221 = arith.constant 0 : i32
      %dma_wait3A_222 = tpu.memref_slice %arg7[%arg0, %multiple_of3A_199, %dma_wait3A_221] : memref<2x10240x128xf32, #tpu.memory_space<hbm>> -> memref<1x80x128xf32, #tpu.memory_space<hbm>>
      %dma_wait3A_223 = tpu.memref_squeeze %dma_wait3A_222 : memref<1x80x128xf32, #tpu.memory_space<hbm>> -> memref<80x128xf32, #tpu.memory_space<hbm>>
      tpu.wait_dma2 semaphore(%run_scoped3A : memref<!tpu.dma_semaphore, #tpu.memory_space<semaphore_mem>>) src(%arg9 : memref<80x128xf32, #tpu.memory_space<vmem>>) dst(%dma_wait3A_223 : memref<80x128xf32, #tpu.memory_space<hbm>>)
      tpu.yield
    }) : () -> ()
    %add3A_200 = arith.constant 320 : i32
    %add3A_201 = arith.addi %mul3A_0, %add3A_200 : i32
    %multiple_of3A_202 = tpu.assume_multiple %add3A_201, 8 : i32
    "tpu.region"() ({
      %run_scoped3A = tpu.sem_alloc : memref<!tpu.dma_semaphore, #tpu.memory_space<semaphore_mem>>
      %dma_start3A_212 = arith.constant 0 : i32
      %dma_start3A_213 = tpu.memref_slice %arg25[%multiple_of3A_202, %dma_start3A_212] : memref<10240x128xf32, #tpu.memory_space<vmem_shared>> -> memref<80x128xf32, #tpu.memory_space<vmem_shared>>
      %dma_start3A_214 = arith.constant 0 : i32
      %dma_start3A_215 = tpu.memref_slice %arg25[%multiple_of3A_202, %dma_start3A_214] : memref<10240x128xf32, #tpu.memory_space<vmem_shared>> -> memref<80x128xf32, #tpu.memory_space<vmem_shared>>
      tpu.enqueue_dma source(%dma_start3A_215 : memref<80x128xf32, #tpu.memory_space<vmem_shared>>) target(%arg9 : memref<80x128xf32, #tpu.memory_space<vmem>>) target_semaphore(%run_scoped3A : memref<!tpu.dma_semaphore, #tpu.memory_space<semaphore_mem>>)
      %dma_wait3A_216 = arith.constant 0 : i32
      %dma_wait3A_217 = tpu.memref_slice %arg25[%multiple_of3A_202, %dma_wait3A_216] : memref<10240x128xf32, #tpu.memory_space<vmem_shared>> -> memref<80x128xf32, #tpu.memory_space<vmem_shared>>
      %dma_wait3A_218 = arith.constant 0 : i32
      %dma_wait3A_219 = tpu.memref_slice %arg25[%multiple_of3A_202, %dma_wait3A_218] : memref<10240x128xf32, #tpu.memory_space<vmem_shared>> -> memref<80x128xf32, #tpu.memory_space<vmem_shared>>
      tpu.wait_dma2 semaphore(%run_scoped3A : memref<!tpu.dma_semaphore, #tpu.memory_space<semaphore_mem>>) src(%dma_wait3A_219 : memref<80x128xf32, #tpu.memory_space<vmem_shared>>) dst(%arg9 : memref<80x128xf32, #tpu.memory_space<vmem>>)
      tpu.yield
    }) : () -> ()
    "tpu.region"() ({
      %run_scoped3A = tpu.sem_alloc : memref<!tpu.dma_semaphore, #tpu.memory_space<semaphore_mem>>
      %dma_start3A_212 = arith.constant 0 : i32
      %dma_start3A_213 = tpu.memref_slice %arg7[%arg0, %multiple_of3A_202, %dma_start3A_212] : memref<2x10240x128xf32, #tpu.memory_space<hbm>> -> memref<1x80x128xf32, #tpu.memory_space<hbm>>
      %dma_start3A_214 = tpu.memref_squeeze %dma_start3A_213 : memref<1x80x128xf32, #tpu.memory_space<hbm>> -> memref<80x128xf32, #tpu.memory_space<hbm>>
      %dma_start3A_215 = arith.constant 0 : i32
      %dma_start3A_216 = tpu.memref_slice %arg7[%arg0, %multiple_of3A_202, %dma_start3A_215] : memref<2x10240x128xf32, #tpu.memory_space<hbm>> -> memref<1x80x128xf32, #tpu.memory_space<hbm>>
      %dma_start3A_217 = tpu.memref_squeeze %dma_start3A_216 : memref<1x80x128xf32, #tpu.memory_space<hbm>> -> memref<80x128xf32, #tpu.memory_space<hbm>>
      tpu.enqueue_dma source(%arg9 : memref<80x128xf32, #tpu.memory_space<vmem>>) target(%dma_start3A_217 : memref<80x128xf32, #tpu.memory_space<hbm>>) target_semaphore(%run_scoped3A : memref<!tpu.dma_semaphore, #tpu.memory_space<semaphore_mem>>)
      %dma_wait3A_218 = arith.constant 0 : i32
      %dma_wait3A_219 = tpu.memref_slice %arg7[%arg0, %multiple_of3A_202, %dma_wait3A_218] : memref<2x10240x128xf32, #tpu.memory_space<hbm>> -> memref<1x80x128xf32, #tpu.memory_space<hbm>>
      %dma_wait3A_220 = tpu.memref_squeeze %dma_wait3A_219 : memref<1x80x128xf32, #tpu.memory_space<hbm>> -> memref<80x128xf32, #tpu.memory_space<hbm>>
      %dma_wait3A_221 = arith.constant 0 : i32
      %dma_wait3A_222 = tpu.memref_slice %arg7[%arg0, %multiple_of3A_202, %dma_wait3A_221] : memref<2x10240x128xf32, #tpu.memory_space<hbm>> -> memref<1x80x128xf32, #tpu.memory_space<hbm>>
      %dma_wait3A_223 = tpu.memref_squeeze %dma_wait3A_222 : memref<1x80x128xf32, #tpu.memory_space<hbm>> -> memref<80x128xf32, #tpu.memory_space<hbm>>
      tpu.wait_dma2 semaphore(%run_scoped3A : memref<!tpu.dma_semaphore, #tpu.memory_space<semaphore_mem>>) src(%arg9 : memref<80x128xf32, #tpu.memory_space<vmem>>) dst(%dma_wait3A_223 : memref<80x128xf32, #tpu.memory_space<hbm>>)
      tpu.yield
    }) : () -> ()
    %add3A_203 = arith.constant 400 : i32
    %add3A_204 = arith.addi %mul3A_0, %add3A_203 : i32
    %multiple_of3A_205 = tpu.assume_multiple %add3A_204, 8 : i32
    "tpu.region"() ({
      %run_scoped3A = tpu.sem_alloc : memref<!tpu.dma_semaphore, #tpu.memory_space<semaphore_mem>>
      %dma_start3A_212 = arith.constant 0 : i32
      %dma_start3A_213 = tpu.memref_slice %arg25[%multiple_of3A_205, %dma_start3A_212] : memref<10240x128xf32, #tpu.memory_space<vmem_shared>> -> memref<80x128xf32, #tpu.memory_space<vmem_shared>>
      %dma_start3A_214 = arith.constant 0 : i32
      %dma_start3A_215 = tpu.memref_slice %arg25[%multiple_of3A_205, %dma_start3A_214] : memref<10240x128xf32, #tpu.memory_space<vmem_shared>> -> memref<80x128xf32, #tpu.memory_space<vmem_shared>>
      tpu.enqueue_dma source(%dma_start3A_215 : memref<80x128xf32, #tpu.memory_space<vmem_shared>>) target(%arg9 : memref<80x128xf32, #tpu.memory_space<vmem>>) target_semaphore(%run_scoped3A : memref<!tpu.dma_semaphore, #tpu.memory_space<semaphore_mem>>)
      %dma_wait3A_216 = arith.constant 0 : i32
      %dma_wait3A_217 = tpu.memref_slice %arg25[%multiple_of3A_205, %dma_wait3A_216] : memref<10240x128xf32, #tpu.memory_space<vmem_shared>> -> memref<80x128xf32, #tpu.memory_space<vmem_shared>>
      %dma_wait3A_218 = arith.constant 0 : i32
      %dma_wait3A_219 = tpu.memref_slice %arg25[%multiple_of3A_205, %dma_wait3A_218] : memref<10240x128xf32, #tpu.memory_space<vmem_shared>> -> memref<80x128xf32, #tpu.memory_space<vmem_shared>>
      tpu.wait_dma2 semaphore(%run_scoped3A : memref<!tpu.dma_semaphore, #tpu.memory_space<semaphore_mem>>) src(%dma_wait3A_219 : memref<80x128xf32, #tpu.memory_space<vmem_shared>>) dst(%arg9 : memref<80x128xf32, #tpu.memory_space<vmem>>)
      tpu.yield
    }) : () -> ()
    "tpu.region"() ({
      %run_scoped3A = tpu.sem_alloc : memref<!tpu.dma_semaphore, #tpu.memory_space<semaphore_mem>>
      %dma_start3A_212 = arith.constant 0 : i32
      %dma_start3A_213 = tpu.memref_slice %arg7[%arg0, %multiple_of3A_205, %dma_start3A_212] : memref<2x10240x128xf32, #tpu.memory_space<hbm>> -> memref<1x80x128xf32, #tpu.memory_space<hbm>>
      %dma_start3A_214 = tpu.memref_squeeze %dma_start3A_213 : memref<1x80x128xf32, #tpu.memory_space<hbm>> -> memref<80x128xf32, #tpu.memory_space<hbm>>
      %dma_start3A_215 = arith.constant 0 : i32
      %dma_start3A_216 = tpu.memref_slice %arg7[%arg0, %multiple_of3A_205, %dma_start3A_215] : memref<2x10240x128xf32, #tpu.memory_space<hbm>> -> memref<1x80x128xf32, #tpu.memory_space<hbm>>
      %dma_start3A_217 = tpu.memref_squeeze %dma_start3A_216 : memref<1x80x128xf32, #tpu.memory_space<hbm>> -> memref<80x128xf32, #tpu.memory_space<hbm>>
      tpu.enqueue_dma source(%arg9 : memref<80x128xf32, #tpu.memory_space<vmem>>) target(%dma_start3A_217 : memref<80x128xf32, #tpu.memory_space<hbm>>) target_semaphore(%run_scoped3A : memref<!tpu.dma_semaphore, #tpu.memory_space<semaphore_mem>>)
      %dma_wait3A_218 = arith.constant 0 : i32
      %dma_wait3A_219 = tpu.memref_slice %arg7[%arg0, %multiple_of3A_205, %dma_wait3A_218] : memref<2x10240x128xf32, #tpu.memory_space<hbm>> -> memref<1x80x128xf32, #tpu.memory_space<hbm>>
      %dma_wait3A_220 = tpu.memref_squeeze %dma_wait3A_219 : memref<1x80x128xf32, #tpu.memory_space<hbm>> -> memref<80x128xf32, #tpu.memory_space<hbm>>
      %dma_wait3A_221 = arith.constant 0 : i32
      %dma_wait3A_222 = tpu.memref_slice %arg7[%arg0, %multiple_of3A_205, %dma_wait3A_221] : memref<2x10240x128xf32, #tpu.memory_space<hbm>> -> memref<1x80x128xf32, #tpu.memory_space<hbm>>
      %dma_wait3A_223 = tpu.memref_squeeze %dma_wait3A_222 : memref<1x80x128xf32, #tpu.memory_space<hbm>> -> memref<80x128xf32, #tpu.memory_space<hbm>>
      tpu.wait_dma2 semaphore(%run_scoped3A : memref<!tpu.dma_semaphore, #tpu.memory_space<semaphore_mem>>) src(%arg9 : memref<80x128xf32, #tpu.memory_space<vmem>>) dst(%dma_wait3A_223 : memref<80x128xf32, #tpu.memory_space<hbm>>)
      tpu.yield
    }) : () -> ()
    %add3A_206 = arith.constant 480 : i32
    %add3A_207 = arith.addi %mul3A_0, %add3A_206 : i32
    %multiple_of3A_208 = tpu.assume_multiple %add3A_207, 8 : i32
    "tpu.region"() ({
      %run_scoped3A = tpu.sem_alloc : memref<!tpu.dma_semaphore, #tpu.memory_space<semaphore_mem>>
      %dma_start3A_212 = arith.constant 0 : i32
      %dma_start3A_213 = tpu.memref_slice %arg25[%multiple_of3A_208, %dma_start3A_212] : memref<10240x128xf32, #tpu.memory_space<vmem_shared>> -> memref<80x128xf32, #tpu.memory_space<vmem_shared>>
      %dma_start3A_214 = arith.constant 0 : i32
      %dma_start3A_215 = tpu.memref_slice %arg25[%multiple_of3A_208, %dma_start3A_214] : memref<10240x128xf32, #tpu.memory_space<vmem_shared>> -> memref<80x128xf32, #tpu.memory_space<vmem_shared>>
      tpu.enqueue_dma source(%dma_start3A_215 : memref<80x128xf32, #tpu.memory_space<vmem_shared>>) target(%arg9 : memref<80x128xf32, #tpu.memory_space<vmem>>) target_semaphore(%run_scoped3A : memref<!tpu.dma_semaphore, #tpu.memory_space<semaphore_mem>>)
      %dma_wait3A_216 = arith.constant 0 : i32
      %dma_wait3A_217 = tpu.memref_slice %arg25[%multiple_of3A_208, %dma_wait3A_216] : memref<10240x128xf32, #tpu.memory_space<vmem_shared>> -> memref<80x128xf32, #tpu.memory_space<vmem_shared>>
      %dma_wait3A_218 = arith.constant 0 : i32
      %dma_wait3A_219 = tpu.memref_slice %arg25[%multiple_of3A_208, %dma_wait3A_218] : memref<10240x128xf32, #tpu.memory_space<vmem_shared>> -> memref<80x128xf32, #tpu.memory_space<vmem_shared>>
      tpu.wait_dma2 semaphore(%run_scoped3A : memref<!tpu.dma_semaphore, #tpu.memory_space<semaphore_mem>>) src(%dma_wait3A_219 : memref<80x128xf32, #tpu.memory_space<vmem_shared>>) dst(%arg9 : memref<80x128xf32, #tpu.memory_space<vmem>>)
      tpu.yield
    }) : () -> ()
    "tpu.region"() ({
      %run_scoped3A = tpu.sem_alloc : memref<!tpu.dma_semaphore, #tpu.memory_space<semaphore_mem>>
      %dma_start3A_212 = arith.constant 0 : i32
      %dma_start3A_213 = tpu.memref_slice %arg7[%arg0, %multiple_of3A_208, %dma_start3A_212] : memref<2x10240x128xf32, #tpu.memory_space<hbm>> -> memref<1x80x128xf32, #tpu.memory_space<hbm>>
      %dma_start3A_214 = tpu.memref_squeeze %dma_start3A_213 : memref<1x80x128xf32, #tpu.memory_space<hbm>> -> memref<80x128xf32, #tpu.memory_space<hbm>>
      %dma_start3A_215 = arith.constant 0 : i32
      %dma_start3A_216 = tpu.memref_slice %arg7[%arg0, %multiple_of3A_208, %dma_start3A_215] : memref<2x10240x128xf32, #tpu.memory_space<hbm>> -> memref<1x80x128xf32, #tpu.memory_space<hbm>>
      %dma_start3A_217 = tpu.memref_squeeze %dma_start3A_216 : memref<1x80x128xf32, #tpu.memory_space<hbm>> -> memref<80x128xf32, #tpu.memory_space<hbm>>
      tpu.enqueue_dma source(%arg9 : memref<80x128xf32, #tpu.memory_space<vmem>>) target(%dma_start3A_217 : memref<80x128xf32, #tpu.memory_space<hbm>>) target_semaphore(%run_scoped3A : memref<!tpu.dma_semaphore, #tpu.memory_space<semaphore_mem>>)
      %dma_wait3A_218 = arith.constant 0 : i32
      %dma_wait3A_219 = tpu.memref_slice %arg7[%arg0, %multiple_of3A_208, %dma_wait3A_218] : memref<2x10240x128xf32, #tpu.memory_space<hbm>> -> memref<1x80x128xf32, #tpu.memory_space<hbm>>
      %dma_wait3A_220 = tpu.memref_squeeze %dma_wait3A_219 : memref<1x80x128xf32, #tpu.memory_space<hbm>> -> memref<80x128xf32, #tpu.memory_space<hbm>>
      %dma_wait3A_221 = arith.constant 0 : i32
      %dma_wait3A_222 = tpu.memref_slice %arg7[%arg0, %multiple_of3A_208, %dma_wait3A_221] : memref<2x10240x128xf32, #tpu.memory_space<hbm>> -> memref<1x80x128xf32, #tpu.memory_space<hbm>>
      %dma_wait3A_223 = tpu.memref_squeeze %dma_wait3A_222 : memref<1x80x128xf32, #tpu.memory_space<hbm>> -> memref<80x128xf32, #tpu.memory_space<hbm>>
      tpu.wait_dma2 semaphore(%run_scoped3A : memref<!tpu.dma_semaphore, #tpu.memory_space<semaphore_mem>>) src(%arg9 : memref<80x128xf32, #tpu.memory_space<vmem>>) dst(%dma_wait3A_223 : memref<80x128xf32, #tpu.memory_space<hbm>>)
      tpu.yield
    }) : () -> ()
    %add3A_209 = arith.constant 560 : i32
    %add3A_210 = arith.addi %mul3A_0, %add3A_209 : i32
    %multiple_of3A_211 = tpu.assume_multiple %add3A_210, 8 : i32
    "tpu.region"() ({
      %run_scoped3A = tpu.sem_alloc : memref<!tpu.dma_semaphore, #tpu.memory_space<semaphore_mem>>
      %dma_start3A_212 = arith.constant 0 : i32
      %dma_start3A_213 = tpu.memref_slice %arg25[%multiple_of3A_211, %dma_start3A_212] : memref<10240x128xf32, #tpu.memory_space<vmem_shared>> -> memref<80x128xf32, #tpu.memory_space<vmem_shared>>
      %dma_start3A_214 = arith.constant 0 : i32
      %dma_start3A_215 = tpu.memref_slice %arg25[%multiple_of3A_211, %dma_start3A_214] : memref<10240x128xf32, #tpu.memory_space<vmem_shared>> -> memref<80x128xf32, #tpu.memory_space<vmem_shared>>
      tpu.enqueue_dma source(%dma_start3A_215 : memref<80x128xf32, #tpu.memory_space<vmem_shared>>) target(%arg9 : memref<80x128xf32, #tpu.memory_space<vmem>>) target_semaphore(%run_scoped3A : memref<!tpu.dma_semaphore, #tpu.memory_space<semaphore_mem>>)
      %dma_wait3A_216 = arith.constant 0 : i32
      %dma_wait3A_217 = tpu.memref_slice %arg25[%multiple_of3A_211, %dma_wait3A_216] : memref<10240x128xf32, #tpu.memory_space<vmem_shared>> -> memref<80x128xf32, #tpu.memory_space<vmem_shared>>
      %dma_wait3A_218 = arith.constant 0 : i32
      %dma_wait3A_219 = tpu.memref_slice %arg25[%multiple_of3A_211, %dma_wait3A_218] : memref<10240x128xf32, #tpu.memory_space<vmem_shared>> -> memref<80x128xf32, #tpu.memory_space<vmem_shared>>
      tpu.wait_dma2 semaphore(%run_scoped3A : memref<!tpu.dma_semaphore, #tpu.memory_space<semaphore_mem>>) src(%dma_wait3A_219 : memref<80x128xf32, #tpu.memory_space<vmem_shared>>) dst(%arg9 : memref<80x128xf32, #tpu.memory_space<vmem>>)
      tpu.yield
    }) : () -> ()
    "tpu.region"() ({
      %run_scoped3A = tpu.sem_alloc : memref<!tpu.dma_semaphore, #tpu.memory_space<semaphore_mem>>
      %dma_start3A_212 = arith.constant 0 : i32
      %dma_start3A_213 = tpu.memref_slice %arg7[%arg0, %multiple_of3A_211, %dma_start3A_212] : memref<2x10240x128xf32, #tpu.memory_space<hbm>> -> memref<1x80x128xf32, #tpu.memory_space<hbm>>
      %dma_start3A_214 = tpu.memref_squeeze %dma_start3A_213 : memref<1x80x128xf32, #tpu.memory_space<hbm>> -> memref<80x128xf32, #tpu.memory_space<hbm>>
      %dma_start3A_215 = arith.constant 0 : i32
      %dma_start3A_216 = tpu.memref_slice %arg7[%arg0, %multiple_of3A_211, %dma_start3A_215] : memref<2x10240x128xf32, #tpu.memory_space<hbm>> -> memref<1x80x128xf32, #tpu.memory_space<hbm>>
      %dma_start3A_217 = tpu.memref_squeeze %dma_start3A_216 : memref<1x80x128xf32, #tpu.memory_space<hbm>> -> memref<80x128xf32, #tpu.memory_space<hbm>>
      tpu.enqueue_dma source(%arg9 : memref<80x128xf32, #tpu.memory_space<vmem>>) target(%dma_start3A_217 : memref<80x128xf32, #tpu.memory_space<hbm>>) target_semaphore(%run_scoped3A : memref<!tpu.dma_semaphore, #tpu.memory_space<semaphore_mem>>)
      %dma_wait3A_218 = arith.constant 0 : i32
      %dma_wait3A_219 = tpu.memref_slice %arg7[%arg0, %multiple_of3A_211, %dma_wait3A_218] : memref<2x10240x128xf32, #tpu.memory_space<hbm>> -> memref<1x80x128xf32, #tpu.memory_space<hbm>>
      %dma_wait3A_220 = tpu.memref_squeeze %dma_wait3A_219 : memref<1x80x128xf32, #tpu.memory_space<hbm>> -> memref<80x128xf32, #tpu.memory_space<hbm>>
      %dma_wait3A_221 = arith.constant 0 : i32
      %dma_wait3A_222 = tpu.memref_slice %arg7[%arg0, %multiple_of3A_211, %dma_wait3A_221] : memref<2x10240x128xf32, #tpu.memory_space<hbm>> -> memref<1x80x128xf32, #tpu.memory_space<hbm>>
      %dma_wait3A_223 = tpu.memref_squeeze %dma_wait3A_222 : memref<1x80x128xf32, #tpu.memory_space<hbm>> -> memref<80x128xf32, #tpu.memory_space<hbm>>
      tpu.wait_dma2 semaphore(%run_scoped3A : memref<!tpu.dma_semaphore, #tpu.memory_space<semaphore_mem>>) src(%arg9 : memref<80x128xf32, #tpu.memory_space<vmem>>) dst(%dma_wait3A_223 : memref<80x128xf32, #tpu.memory_space<hbm>>)
      tpu.yield
    }) : () -> ()
    "tpu.region"() ({
      %run_scoped3A = tpu.sem_alloc : memref<!tpu.dma_semaphore, #tpu.memory_space<semaphore_mem>>
      %dma_start3A_212 = arith.constant 0 : i32
      %dma_start3A_213 = tpu.memref_slice %arg8[%arg0, %arg1, %dma_start3A_212] : memref<2x16x10000xf32, #tpu.memory_space<hbm>> -> memref<1x1x10000xf32, #tpu.memory_space<hbm>>
      %dma_start3A_214 = tpu.memref_squeeze %dma_start3A_213 : memref<1x1x10000xf32, #tpu.memory_space<hbm>> -> memref<10000xf32, #tpu.memory_space<hbm>>
      %dma_start3A_215 = arith.constant 0 : i32
      %dma_start3A_216 = tpu.memref_slice %arg8[%arg0, %arg1, %dma_start3A_215] : memref<2x16x10000xf32, #tpu.memory_space<hbm>> -> memref<1x1x10000xf32, #tpu.memory_space<hbm>>
      %dma_start3A_217 = tpu.memref_squeeze %dma_start3A_216 : memref<1x1x10000xf32, #tpu.memory_space<hbm>> -> memref<10000xf32, #tpu.memory_space<hbm>>
      tpu.enqueue_dma source(%arg24 : memref<10000xf32, #tpu.memory_space<vmem>>) target(%dma_start3A_217 : memref<10000xf32, #tpu.memory_space<hbm>>) target_semaphore(%run_scoped3A : memref<!tpu.dma_semaphore, #tpu.memory_space<semaphore_mem>>)
      %dma_wait3A_218 = arith.constant 0 : i32
      %dma_wait3A_219 = tpu.memref_slice %arg8[%arg0, %arg1, %dma_wait3A_218] : memref<2x16x10000xf32, #tpu.memory_space<hbm>> -> memref<1x1x10000xf32, #tpu.memory_space<hbm>>
      %dma_wait3A_220 = tpu.memref_squeeze %dma_wait3A_219 : memref<1x1x10000xf32, #tpu.memory_space<hbm>> -> memref<10000xf32, #tpu.memory_space<hbm>>
      %dma_wait3A_221 = arith.constant 0 : i32
      %dma_wait3A_222 = tpu.memref_slice %arg8[%arg0, %arg1, %dma_wait3A_221] : memref<2x16x10000xf32, #tpu.memory_space<hbm>> -> memref<1x1x10000xf32, #tpu.memory_space<hbm>>
      %dma_wait3A_223 = tpu.memref_squeeze %dma_wait3A_222 : memref<1x1x10000xf32, #tpu.memory_space<hbm>> -> memref<10000xf32, #tpu.memory_space<hbm>>
      tpu.wait_dma2 semaphore(%run_scoped3A : memref<!tpu.dma_semaphore, #tpu.memory_space<semaphore_mem>>) src(%arg24 : memref<10000xf32, #tpu.memory_space<vmem>>) dst(%dma_wait3A_223 : memref<10000xf32, #tpu.memory_space<hbm>>)
      tpu.yield
    }) : () -> ()
    return
  }
}

module attributes {stable_mosaic.version = 14 : i64} {
  func.func @_tc_body(%arg0: memref<128x10000xf32, #tpu.memory_space<vmem>>, %arg1: memref<2x10240x128xf32, #tpu.memory_space<vmem>>, %arg2: memref<32x10000xf32, #tpu.memory_space<vmem>>, %arg3: memref<128x128xf32, #tpu.memory_space<vmem>>, %arg4: memref<128x1xf32, #tpu.memory_space<vmem>>, %arg5: memref<128x128xf32, #tpu.memory_space<vmem>>, %arg6: memref<128x1xf32, #tpu.memory_space<vmem>>, %arg7: memref<128x1xf32, #tpu.memory_space<vmem>>, %arg8: memref<128x1xf32, #tpu.memory_space<vmem>>, %arg9: memref<128x10000xf32, #tpu.memory_space<vmem>>) attributes {dimension_semantics = [], scalar_prefetch = 0 : i64, scratch_operands = 0 : i64, tpu.core_type = #tpu.core_type<tc>} {
    %get3A = arith.constant 0 : index
    %get3A_0 = arith.constant 0 : index
    %get3A_1 = vector.load %arg0[%get3A, %get3A_0] : memref<128x10000xf32, #tpu.memory_space<vmem>>, vector<128x10000xf32>
    %get3A_2 = arith.constant 0 : index
    %get3A_3 = arith.constant 0 : index
    %get3A_4 = arith.constant 0 : index
    %get3A_5 = vector.load %arg1[%get3A_2, %get3A_3, %get3A_4] : memref<2x10240x128xf32, #tpu.memory_space<vmem>>, vector<1x10000x128xf32>
    %get3A_6 = vector.shape_cast %get3A_5 : vector<1x10000x128xf32> to vector<10000x128xf32>
    %get3A_7 = arith.constant 1 : index
    %get3A_8 = arith.constant 0 : index
    %get3A_9 = arith.constant 0 : index
    %get3A_10 = vector.load %arg1[%get3A_7, %get3A_8, %get3A_9] : memref<2x10240x128xf32, #tpu.memory_space<vmem>>, vector<1x10000x128xf32>
    %get3A_11 = vector.shape_cast %get3A_10 : vector<1x10000x128xf32> to vector<10000x128xf32>
    %add3A = arith.addf %get3A_6, %get3A_11 : vector<10000x128xf32>
    %get3A_12 = arith.constant 0 : index
    %get3A_13 = arith.constant 0 : index
    %get3A_14 = vector.load %arg2[%get3A_12, %get3A_13] : memref<32x10000xf32, #tpu.memory_space<vmem>>, vector<32x10000xf32>
    %reduce_sum3A = arith.constant dense<0.000000e+00> : vector<10000xf32>
    %reduce_sum3A_15 = vector.multi_reduction <add>, %get3A_14, %reduce_sum3A [0] : vector<32x10000xf32> to vector<10000xf32>
    %broadcast_in_dim3A = vector.shape_cast %reduce_sum3A_15 : vector<10000xf32> to vector<1x10000xf32>
    %max3A = arith.constant 1.000000e+00 : f32
    %max3A_16 = vector.broadcast %max3A : f32 to vector<1x10000xf32>
    %max3A_17 = arith.maximumf %broadcast_in_dim3A, %max3A_16 : vector<1x10000xf32>
    %get3A_18 = arith.constant 0 : index
    %get3A_19 = arith.constant 0 : index
    %get3A_20 = vector.load %arg5[%get3A_18, %get3A_19] : memref<128x128xf32, #tpu.memory_space<vmem>>, vector<128x128xf32>
    %dot_general3A = arith.constant dense<0.000000e+00> : vector<128x10000xf32>
    %dot_general3A_21 = tpu.matmul %get3A_20, %add3A, %dot_general3A {dimension_numbers = #tpu.dot_dimension_numbers<[1], [1], [0], [0], [0, 0, 1, 0], [], []>, transpose_lhs_hint = false} : vector<128x128xf32>, vector<10000x128xf32>, vector<128x10000xf32> -> vector<128x10000xf32>
    %div3A = vector.broadcast %max3A_17 : vector<1x10000xf32> to vector<128x10000xf32>
    %div3A_22 = arith.divf %dot_general3A_21, %div3A : vector<128x10000xf32>
    %gt3A = arith.constant 0.000000e+00 : f32
    %gt3A_23 = vector.broadcast %gt3A : f32 to vector<1x10000xf32>
    %gt3A_24 = arith.cmpf ogt, %broadcast_in_dim3A, %gt3A_23 : vector<1x10000xf32>
    %jit3A = arith.constant 1.000000e+00 : f32
    %jit3A_25 = arith.constant 0.000000e+00 : f32
    %broadcast_in_dim3A_26 = vector.broadcast %jit3A : f32 to vector<1x10000xf32>
    %broadcast_in_dim3A_27 = vector.broadcast %jit3A_25 : f32 to vector<1x10000xf32>
    %select_n3A = arith.select %gt3A_24, %broadcast_in_dim3A_26, %broadcast_in_dim3A_27 : vector<1x10000xi1>, vector<1x10000xf32>
    %get3A_28 = arith.constant 0 : index
    %get3A_29 = arith.constant 0 : index
    %get3A_30 = vector.load %arg6[%get3A_28, %get3A_29] : memref<128x1xf32, #tpu.memory_space<vmem>>, vector<128x1xf32>
    %mul3A = vector.broadcast %select_n3A : vector<1x10000xf32> to vector<128x10000xf32>
    %mul3A_31 = vector.broadcast %get3A_30 : vector<128x1xf32> to vector<128x10000xf32>
    %mul3A_32 = arith.mulf %mul3A, %mul3A_31 : vector<128x10000xf32>
    %add3A_33 = arith.addf %div3A_22, %mul3A_32 : vector<128x10000xf32>
    %get3A_34 = arith.constant 0 : index
    %get3A_35 = arith.constant 0 : index
    %get3A_36 = vector.load %arg3[%get3A_34, %get3A_35] : memref<128x128xf32, #tpu.memory_space<vmem>>, vector<128x128xf32>
    %dot_general3A_37 = arith.constant dense<0.000000e+00> : vector<128x10000xf32>
    %dot_general3A_38 = tpu.matmul %get3A_36, %get3A_1, %dot_general3A_37 {dimension_numbers = #tpu.dot_dimension_numbers<[1], [0], [0], [1], [0, 0, 1, 1], [], []>, transpose_lhs_hint = false} : vector<128x128xf32>, vector<128x10000xf32>, vector<128x10000xf32> -> vector<128x10000xf32>
    %add3A_39 = arith.addf %add3A_33, %dot_general3A_38 : vector<128x10000xf32>
    %get3A_40 = arith.constant 0 : index
    %get3A_41 = arith.constant 0 : index
    %get3A_42 = vector.load %arg4[%get3A_40, %get3A_41] : memref<128x1xf32, #tpu.memory_space<vmem>>, vector<128x1xf32>
    %add3A_43 = vector.broadcast %get3A_42 : vector<128x1xf32> to vector<128x10000xf32>
    %add3A_44 = arith.addf %add3A_39, %add3A_43 : vector<128x10000xf32>
    %reduce_sum3A_45 = arith.constant dense<0.000000e+00> : vector<128xf32>
    %reduce_sum3A_46 = vector.multi_reduction <add>, %add3A_44, %reduce_sum3A_45 [1] : vector<128x10000xf32> to vector<128xf32>
    %broadcast_in_dim3A_47 = vector.shape_cast %reduce_sum3A_46 : vector<128xf32> to vector<128x1xf32>
    %div3A_48 = arith.constant 1.000000e+04 : f32
    %div3A_49 = vector.broadcast %div3A_48 : f32 to vector<128x1xf32>
    %div3A_50 = arith.divf %broadcast_in_dim3A_47, %div3A_49 : vector<128x1xf32>
    %sub3A = vector.broadcast %div3A_50 : vector<128x1xf32> to vector<128x10000xf32>
    %sub3A_51 = arith.subf %add3A_44, %sub3A : vector<128x10000xf32>
    %mul3A_52 = arith.mulf %sub3A_51, %sub3A_51 : vector<128x10000xf32>
    %reduce_sum3A_53 = arith.constant dense<0.000000e+00> : vector<128xf32>
    %reduce_sum3A_54 = vector.multi_reduction <add>, %mul3A_52, %reduce_sum3A_53 [1] : vector<128x10000xf32> to vector<128xf32>
    %broadcast_in_dim3A_55 = vector.shape_cast %reduce_sum3A_54 : vector<128xf32> to vector<128x1xf32>
    %div3A_56 = arith.constant 1.000000e+04 : f32
    %div3A_57 = vector.broadcast %div3A_56 : f32 to vector<128x1xf32>
    %div3A_58 = arith.divf %broadcast_in_dim3A_55, %div3A_57 : vector<128x1xf32>
    %add3A_59 = arith.constant 9.99999974E-6 : f32
    %add3A_60 = vector.broadcast %add3A_59 : f32 to vector<128x1xf32>
    %add3A_61 = arith.addf %div3A_58, %add3A_60 : vector<128x1xf32>
    %rsqrt3A = math.rsqrt %add3A_61 : vector<128x1xf32>
    %mul3A_62 = vector.broadcast %rsqrt3A : vector<128x1xf32> to vector<128x10000xf32>
    %mul3A_63 = arith.mulf %sub3A_51, %mul3A_62 : vector<128x10000xf32>
    %get3A_64 = arith.constant 0 : index
    %get3A_65 = arith.constant 0 : index
    %get3A_66 = vector.load %arg7[%get3A_64, %get3A_65] : memref<128x1xf32, #tpu.memory_space<vmem>>, vector<128x1xf32>
    %mul3A_67 = vector.broadcast %get3A_66 : vector<128x1xf32> to vector<128x10000xf32>
    %mul3A_68 = arith.mulf %mul3A_63, %mul3A_67 : vector<128x10000xf32>
    %get3A_69 = arith.constant 0 : index
    %get3A_70 = arith.constant 0 : index
    %get3A_71 = vector.load %arg8[%get3A_69, %get3A_70] : memref<128x1xf32, #tpu.memory_space<vmem>>, vector<128x1xf32>
    %add3A_72 = vector.broadcast %get3A_71 : vector<128x1xf32> to vector<128x10000xf32>
    %add3A_73 = arith.addf %mul3A_68, %add3A_72 : vector<128x10000xf32>
    %gt3A_74 = arith.constant 0.000000e+00 : f32
    %gt3A_75 = vector.broadcast %gt3A_74 : f32 to vector<128x10000xf32>
    %gt3A_76 = arith.cmpf ogt, %add3A_73, %gt3A_75 : vector<128x10000xf32>
    %mul3A_77 = arith.constant 3.000000e-01 : f32
    %mul3A_78 = vector.broadcast %mul3A_77 : f32 to vector<128x10000xf32>
    %mul3A_79 = arith.mulf %mul3A_78, %add3A_73 : vector<128x10000xf32>
    %select_n3A_80 = arith.select %gt3A_76, %add3A_73, %mul3A_79 : vector<128x10000xi1>, vector<128x10000xf32>
    %swap3A = arith.constant 0 : index
    %swap3A_81 = arith.constant 0 : index
    %swap3A_82 = vector.load %arg9[%swap3A, %swap3A_81] : memref<128x10000xf32, #tpu.memory_space<vmem>>, vector<128x10000xf32>
    tpu.vector_store %arg9[%swap3A, %swap3A_81], %select_n3A_80 {strides = array<i32>} : memref<128x10000xf32, #tpu.memory_space<vmem>>, vector<128x10000xf32>,
    return
  }
}

</mosaic_0001>

<sc_bundles>
// kernel: kernel.4.cloned.1.call-start
scs
__scs_entry_jumppad:
0x0: {  	(pc) =	sbr.rel $0x88, $3  }
0x1: {  	(tag) =	ssettag $0x0;
	lr =	simm.s32 $0x1  }
0x2: {  	[smem:$0x3F98] =	sst lr;
	_ =	strace $0xD0000000  }
0x3: {  	_ = 	snop  }
0x4: {  	_ = 	snop  }
0x5: {  	_ = 	snop  }
0x6: {  	_ = 	snop  }
0x7: {  	_ = 	snop  }
__scs_overlays_trampoline_lowered:
0x8: {  	[smem:$0x3FA7] =	sst s0  }
0x9: {  	[smem:$0x3FA8] =	sst s1  }
0xa: {  	[smem:$0x3FA9] =	sst s2  }
0xb: {  	[smem:$0x3FAA] =	sst s3  }
0xc: {  	[smem:$0x3FAB] =	sst s4  }
0xd: {  	[smem:$0x3FAC] =	sst s5  }
0xe: {  	[smem:$0x3FAD] =	sst s6  }
0xf: {  	[smem:$0x3FAE] =	sst s7  }
0x10: {  	[smem:$0x3FAF] =	sst s8  }
0x11: {  	[smem:$0x3FB0] =	sst s9;
	s0 =	simm.s32 @!p0 $0x0  }
0x12: {  	s1 =	sld [smem:$0x3F96];
	s0 =	simm.s32 @p0 $0x1  }
0x13: {  	[smem:$0x3FB1] =	sst s0;
	s0 =	simm.s32 @!p1 $0x0  }
0x14: {  	s2 =	sld [smem:$0x3F95];
	s0 =	simm.s32 @p1 $0x1  }
0x15: {  	[smem:$0x3FB2] =	sst s0;
	s0 =	simm.s32 @!p2 $0x0  }
0x16: {  	s3 =	sld [smem:$0x3FDB];
	s0 =	simm.s32 @p2 $0x1  }
0x17: {  	s4 =	simm.s32 $0x1BF5;
	[smem:$0x3FB4] =	sst s0  }
0x18: {  	s0 =	sld [smem:$0x3F97];
	_ =	swait.ge [sflag:s4], $0x0  }
0x19: {  	s7 =	sld [smem:$0x3F98]  }
0x1a: {  	s8 =	sadd.s32 $0xFFFFE003, lr  }
0x1b: {  	s9 =	sadd.s32 $0xFFFFFEF7, lr;
	s5 =	simm.s32 $0xFFFFFFFF;
	p2 =	slt.u32 s8, $0xFFFFF086  }
0x1c: {  	p1 =	slt.u32 s9, $0xF7A;
	s5 =	simm.s32 @!p2 $0x0  }
0x1d: {  	s5 =	simm.s32 @p1 $0x1;
	p0 =	seq.s32 s7, s2  }
0x1e: {  	s7 =	smul.u32 @!p0 $0xF7A, s2;
	p2 =	seq.s32 @!p0 s5, $0x0  }
0x1f: {  	s9 =	smul.u32 $0xF7A, s1;
	s8 =	simm.s32 @!p0 $0x1BF5;
	p2 =	por !p2, p0  }
0x20: {  	[sflag:s8] =	ssyncset.s32 @!p0 $0xFFFFF086;
	s6 =	sadd.s32 @!p0 s3, s7;
	s7 =	simm.s32 @!p0 $0x108  }
0x21: {  	s3 =	sadd.s32 s3, s9;
	s6 =	sadd.s32 @!p0 $0x88, s6;
	s7 =	simm.s32 @p2 $0x1082  }
0x22: {  	[simem:s7], [sflag:s8] =	dma.local @!p0 [hbm:s6], $0xF7A  }
0x23: {  	s9 =	sor.u32 $0xD0000000, s2;
	s6 =	simm.s32 $0x108;
	_ =	swait.ge @!p0 [sflag:s8], $0x0  }
0x24: {  	s3 =	sadd.s32 $0x88, s3;
	s6 =	simm.s32 @!p1 $0x1082;
	[sflag:s4] =	ssyncset.s32 $0xFFFFF086  }
0x25: {  	[simem:s6], [sflag:s4] =	dma.local [hbm:s3], $0xF7A  }
0x26: {  	[smem:$0x3F98] =	sst s1;
	(tag) =	ssettag s2;
	_ =	strace s9  }
0x27: {  	s1 =	sld [smem:$0x3FA8]  }
0x28: {  	s2 =	sld [smem:$0x3FA9]  }
0x29: {  	s4 =	sld [smem:$0x3FAB]  }
0x2a: {  	p0 =	seq.s32 s5, $0x0;
	s5 =	sld [smem:$0x3FAC]  }
0x2b: {  	s6 =	sld [smem:$0x3FAD]  }
0x2c: {  	s7 =	sld [smem:$0x3FAE]  }
0x2d: {  	s3 =	simm.s32 $0x108;
	s8 =	sld [smem:$0x3FAF]  }
0x2e: {  	s3 =	simm.s32 @!p0 $0x1082;
	s9 =	sld [smem:$0x3FB0]  }
0x2f: {  	lr =	sadd.s32 s0, s3;
	s0 =	sld [smem:$0x3FA7]  }
0x30: {  	s3 =	sld [smem:$0x3FAA]  }
0x31: {  	[smem:$0x3FB3] =	sst s10  }
0x32: {  	s10 =	sld [smem:$0x3FB1];
	_ =	sdelay $0x3  }
0x33: {  	p0 =	seq.s32 s10, $0x1;
	s10 =	sld [smem:$0x3FB3];
	_ =	sdelay $0x3  }
0x34: {  	[smem:$0x3FB3] =	sst s10  }
0x35: {  	s10 =	sld [smem:$0x3FB2];
	_ =	sdelay $0x3  }
0x36: {  	p1 =	seq.s32 s10, $0x1;
	s10 =	sld [smem:$0x3FB3];
	_ =	sdelay $0x3  }
0x37: {  	[smem:$0x3FB3] =	sst s10  }
0x38: {  	s10 =	sld [smem:$0x3FB4]  }
0x39: {  	_ = 	snop;
	(pc) =	sbr.ind lr, $3  }
0x3a: {  	_ = 	snop  }
0x3b: {  	_ = 	snop  }
0x3c: {  	p2 =	seq.s32 s10, $0x1;
	s10 =	sld [smem:$0x3FB3]  }
0x3d: {  	_ =	shalt  }
0x3e: {  	_ =	shalt  }
0x3f: {  	_ =	shalt  }
0x40: {  	_ =	shalt  }
0x41: {  	_ =	shalt  }
0x42: {  	_ =	shalt  }
0x43: {  	_ =	shalt  }
0x44: {  	_ =	shalt  }
0x45: {  	_ =	shalt  }
0x46: {  	_ =	shalt  }
0x47: {  	_ =	shalt  }
0x48: {  	_ =	shalt  }
0x49: {  	_ =	shalt  }
0x4a: {  	_ =	shalt  }
0x4b: {  	_ =	shalt  }
0x4c: {  	_ =	shalt  }
0x4d: {  	_ =	shalt  }
0x4e: {  	_ =	shalt  }
0x4f: {  	_ =	shalt  }
0x50: {  	_ =	shalt  }
0x51: {  	_ =	shalt  }
0x52: {  	_ =	shalt  }
0x53: {  	_ =	shalt  }
0x54: {  	_ =	shalt  }
0x55: {  	_ =	shalt  }
0x56: {  	_ =	shalt  }
0x57: {  	_ =	shalt  }
0x58: {  	_ =	shalt  }
0x59: {  	_ =	shalt  }
0x5a: {  	_ =	shalt  }
0x5b: {  	_ =	shalt  }
0x5c: {  	_ =	shalt  }
0x5d: {  	_ =	shalt  }
0x5e: {  	_ =	shalt  }
0x5f: {  	_ =	shalt  }
0x60: {  	_ =	shalt  }
0x61: {  	_ =	shalt  }
0x62: {  	_ =	shalt  }
0x63: {  	_ =	shalt  }
0x64: {  	_ =	shalt  }
0x65: {  	_ =	shalt  }
0x66: {  	_ =	shalt  }
0x67: {  	_ =	shalt  }
0x68: {  	_ =	shalt  }
0x69: {  	_ =	shalt  }
0x6a: {  	_ =	shalt  }
0x6b: {  	_ =	shalt  }
0x6c: {  	_ =	shalt  }
0x6d: {  	_ =	shalt  }
0x6e: {  	_ =	shalt  }
0x6f: {  	_ =	shalt  }
0x70: {  	_ =	shalt  }
0x71: {  	_ =	shalt  }
0x72: {  	_ =	shalt  }
0x73: {  	_ =	shalt  }
0x74: {  	_ =	shalt  }
0x75: {  	_ =	shalt  }
0x76: {  	_ =	shalt  }
0x77: {  	_ =	shalt  }
0x78: {  	_ =	shalt  }
0x79: {  	_ =	shalt  }
0x7a: {  	_ =	shalt  }
0x7b: {  	_ =	shalt  }
0x7c: {  	_ =	shalt  }
0x7d: {  	_ =	shalt  }
0x7e: {  	_ =	shalt  }
0x7f: {  	_ =	shalt  }
0x80: {  	_ =	shalt  }
0x81: {  	_ =	shalt  }
0x82: {  	_ =	shalt  }
0x83: {  	_ =	shalt  }
0x84: {  	_ =	shalt  }
0x85: {  	_ =	shalt  }
0x86: {  	_ =	shalt  }
0x87: {  	_ =	shalt  }
.Lfunc_end0:
.L_simem_size_0:
called_computation_lowered:
.L_overlay_start_0:
0x88: {  	s2 =	sld [smem:$0x3FD9]  }
0x89: {  	s3 =	sld [smem:$0x3FFE];
	_ =	sdelay $0x1  }
0x8a: {  	s1 =	srdreg.scid  }
0x8b: {  	s0 =	sand.u32 $0x1, s1  }
0x8c: {  	s17 =	sshll.u32 s0, $0xA;
	s2 =	sadd.s32 s3, s2  }
0x8d: {  	s2 =	sadd.s32 s2, s17  }
0x8e: {  	[smem:$0x3FBF] =	sst s2  }
0x8f: {  	_ = 	snop  }
0x90: {  	s2 =	sld [smem:$0x3FC9]  }
0x91: {  	s18 =	sld [smem:$0x3FC8]  }
0x92: {  	s4 =	sld [smem:$0x3FC7]  }
0x93: {  	s5 =	sld [smem:$0x3FD0];
	(tm) =	ssettm $0x1  }
0x94: {  	s6 =	sld [smem:$0x3FFB];
	_ =	sdelay $0x3  }
0x95: {  	_ =	strace s6  }
0x96: {  	s6 =	sld [smem:$0x3FFC];
	_ =	sdelay $0x3  }
0x97: {  	_ =	strace s6  }
0x98: {  	s6 =	sld [smem:$0x3FFD];
	_ =	sdelay $0x3  }
0x99: {  	_ =	strace s6  }
0x9a: {  	_ =	strace $0x8FFFFFFF  }
0x9b: {  	s19 =	sld [smem:$0x3FDB];
	_ =	sdelay $0x1  }
0x9c: {  	s7 =	simm.s32 $_scs_section_size  }
0x9d: {  	s8 =	simm.s32 $_size__tile_overlayer_lowered;
	s9 =	simm.s32 $_tile_overlayer_lowered  }
0x9e: {  	s22 =	simm.s32 $0x1BFF;
	s21 =	sshll.u32 s9, $0x1;
	s6 =	sadd.s32 s7, s19  }
0x9f: {  	s10 =	simm.s32 $0x0;
	s20 =	sshll.u32 s8, $0x1;
	s8 =	sadd.s32 s21, s6  }
0xa0: {  	[timem:s10], [sflag:s22] =	dma.local [hbm:s8], s20  }
0xa1: {  	_ =	swait.ge [sflag:s22], s20  }
0xa2: {  	s7 =	ssub.s32 $0x0, s20;
	[sflag:s22] =	ssyncset.done $0x0  }
0xa3: {  	[sflag:s22] =	ssyncadd.s32 s7;
	_ =	sdelay $0x1  }
0xa4: {  	s23 =	simm.s32 $0x1B8B  }
0xa5: {  	_ =	swait.ge [sflag:s23], $0x1  }
0xa6: {  	[sflag:s23] =	ssyncset.done $0x0  }
0xa7: {  	s25 =	simm.s32 $0x1B8E;
	s24 =	sld [smem:$0x3FFE];
	[sflag:s23] =	ssyncadd.s32 $0xFFFFFFFF  }
0xa8: {  	s26 =	simm.s32 $execute0_lowered;
	[smem:$0x3FD2] =	sst s25  }
0xa9: {  	s8 =	sshll.u32 s26, $0x1;
	_ =	strace $0x80000046;
	[dreg:$0x1] =	wrdreg $0xFFFFFFFF  }
0xaa: {  	s28 =	simm.s32 $_size_execute0_lowered;
	s6 =	sadd.s32 s6, s8;
	[dreg:$0x0] =	wrdreg $0x0  }
0xab: {  	s8 =	sshll.u32 s28, $0x1;
	[dreg:$0x2] =	wrdreg s6  }
0xac: {  	[dreg:$0x3] =	wrdreg s8  }
0xad: {  	[dreg:$0x4] =	wrdreg $0xC0  }
0xae: {  	_ =	task [dreg:s10], $0x5FFFF  }
0xaf: {  	[dreg:$0x1] =	wrdreg $0xFFFFFFFF  }
0xb0: {  	[dreg:$0x0] =	wrdreg $0x60  }
0xb1: {  	[dreg:$0x2] =	wrdreg s2  }
0xb2: {  	[dreg:$0x3] =	wrdreg s4  }
0xb3: {  	[dreg:$0x4] =	wrdreg s18  }
0xb4: {  	[dreg:$0x5] =	wrdreg s24  }
0xb5: {  	[dreg:$0x6] =	wrdreg s5  }
0xb6: {  	[dreg:$0x7] =	wrdreg $0xA5800  }
0xb7: {  	[dreg:$0x8] =	wrdreg $0x9  }
0xb8: {  	_ =	task.clear_ibuf [dreg:s10], $0x9FFFF;
	_ =	strace $0x90000046  }
0xb9: {  	s29 =	simm.s32 $0x9;
	_ =	strace $0x80000048  }
0xba: {  	_ =	swait.ge [sflag:s29], $0x1  }
0xbb: {  	[sflag:s29] =	ssyncadd.s32 $0xFFFFFFFF  }
0xbc: {  	_ =	strace $0x90000048  }
0xbd: {  	_ =	sfence  }
0xbe: {  	s30 =	sld [smem:$0x0];
	_ =	sdelay $0x2  }
0xbf: {  	s31 =	sshll.u32 s1, $0xD;
	s1 =	sshrl.u32 s1, $0x2  }
0xc0: {  	s3 =	sand.u32 $0x4000, s31;
	s1 =	sadd.s32 s1, s30  }
0xc1: {  	s0 =	sor.u32 s3, s0;
	s1 =	sshll.u32 s1, $0x11  }
0xc2: {  	s0 =	sor.u32 s1, s0  }
0xc3: {  	s0 =	sadd.s32 $0x8F2B, s0  }
0xc4: {  	[sflag:s0] =	ssyncadd.remote.s32 $0x1  }
0xc5: {  	_ =	sfence.sel $0xFFFF  }
0xc6: {  	[dreg:$0x0] =	wrdreg $0xFFFFFFFF;
	(pc) =	sbr.abs _section_cstart, $3  }
0xc7: {  	[dreg:$0x1] =	wrdreg $0xFFFFFFFF  }
0xc8: {  	_ =	task.clear_ibuf [dreg:s10], $0x2FFFF;
	_ =	strace $0x9FFFFFFF  }
0xc9: {  	(tm) =	ssettm $0x7FFFFFFF  }
tec
execute0_lowered:
.L_overlay_start_1:
0x0: {  	(tag) =	ssettag $0x1  }
0x1: {  	s21 =	rddreg [dreg:$0x1]  }
0x2: {  	s22 =	rddreg [dreg:$0x2]  }
0x3: {  	s3 =	rddreg [dreg:$0x3];
	s23 =	stileid.u32  }
0x4: {  	s1 =	srdreg.scid;
	s7 =	smul.u32 $0x2710, s23  }
0x5: {  	s5 =	rddreg [dreg:$0x4];
	s15 =	sand.u32 $0x1, s1;
	s16 =	smul.u32 $0x14000, s23  }
0x6: {  	s25 =	rddreg [dreg:$0x5];
	s6 =	simm.s32 $0x0;
	s2 =	smul.u32 $0x27100, s15  }
0x7: {  	[smem:$0x7FF] =	sst s6;
	s14 =	sadd.s32 $0x2600, s3;
	s17 =	smul.u32 $0x140000, s15  }
0x8: {  	s1 =	ssub.s32 $0x2, s15;
	_ =	strace $0x80000047;
	s15 =	smul.u32 $0x27800, s15  }
0x9: {  	s8 =	sshrl.u32 s1, $0x1;
	s9 =	sadd.s32 $0x5000, s16;
	s12 =	sadd.s32 $0x7800, s16  }
0xa: {  	s13 =	sadd.s32 $0xA000, s16;
	s10 =	sadd.s32 $0xC800, s16;
	s11 =	sadd.s32 $0xF000, s16  }
0xb: {  	s1 =	ssub.s32 s1, s8;
	s2 =	sadd.s32 s7, s2;
	s8 =	sor.u32 $0x2800, s16  }
0xc: {  	s7 =	sadd.s32 $0x11800, s16;
	s16 =	sadd.s32 s16, s17;
	s28 =	sadd.s32 s12, s25  }
0xd: {  	s16 =	sshrl.u32 s16, $0x3;
	s18 =	sadd.s32 s17, s8;
	s19 =	sadd.s32 $0x370, s2  }
0xe: {  	s20 =	sadd.s32 $0x320, s2;
	s1 =	smax.u32 s1, $0x1;
	[dreg:$0x1f] =	wrdreg s28  }
0xf: {  	s16 =	sadd.s32 s14, s16;
	s24 =	sshrl.u32 s19, $0x3;
	[smem:$0x7F8] =	sst s1  }
0x10: {  	s26 =	sshrl.u32 s20, $0x3;
	[dreg:$0x11] =	wrdreg s16;
	s19 =	sadd.s32 s24, s22  }
0x11: {  	s16 =	sshrl.u32 s18, $0x3;
	s18 =	sadd.s32 s24, s21;
	[dreg:$0x7] =	wrdreg s19  }
0x12: {  	s4 =	sadd.s32 $0x2D0, s2;
	s0 =	sadd.s32 s26, s22;
	[dreg:$0x8] =	wrdreg s18  }
0x13: {  	s24 =	sadd.s32 s26, s21;
	s26 =	sshrl.u32 s4, $0x3;
	[dreg:$0x9] =	wrdreg s0  }
0x14: {  	s0 =	sshrl.u32 s23, $0x3;
	[dreg:$0xa] =	wrdreg s24;
	s4 =	sadd.s32 s26, s22  }
0x15: {  	s24 =	sadd.s32 $0x280, s2;
	s16 =	sadd.s32 s14, s16;
	[dreg:$0xb] =	wrdreg s4  }
0x16: {  	s26 =	sadd.s32 s26, s21;
	s20 =	smul.u32 $0x13C00, s0;
	[dreg:$0x12] =	wrdreg s16  }
0x17: {  	s18 =	sshrl.u32 s24, $0x3;
	[dreg:$0xc] =	wrdreg s26;
	s4 =	sshll.u32 s23, $0x7  }
0x18: {  	s26 =	sadd.s32 s17, s9;
	s0 =	sadd.s32 s18, s22;
	s19 =	sand.u32 $0x380, s4  }
0x19: {  	s18 =	sadd.s32 s18, s21;
	s4 =	sadd.s32 s17, s13;
	[dreg:$0xd] =	wrdreg s0  }
0x1a: {  	s15 =	sadd.s32 s15, s20;
	s20 =	sadd.s32 $0x230, s2;
	[dreg:$0xe] =	wrdreg s18  }
0x1b: {  	s0 =	sadd.s32 s17, s12;
	s12 =	sadd.s32 s13, s25;
	s13 =	sadd.s32 s10, s25  }
0x1c: {  	s16 =	sshrl.u32 s20, $0x3;
	s15 =	sor.u32 s19, s15;
	s20 =	sshrl.u32 s4, $0x3  }
0x1d: {  	s4 =	smul.u32 $0x50000, s23;
	s23 =	sadd.s32 s9, s25;
	[smem:$0x7FB] =	sst s13  }
0x1e: {  	s19 =	sshrl.u32 s26, $0x3;
	s24 =	sadd.s32 s16, s22;
	[dreg:$0x1e] =	wrdreg s23  }
0x1f: {  	s18 =	sshrl.u32 s0, $0x3;
	s19 =	sadd.s32 s14, s19;
	[dreg:$0xf] =	wrdreg s24  }
0x20: {  	s29 =	simm.s32 $0x7C80;
	s18 =	sadd.s32 s14, s18;
	[dreg:$0x13] =	wrdreg s19  }
0x21: {  	s26 =	sadd.s32 s17, s11;
	s16 =	sadd.s32 s16, s21;
	[dreg:$0x14] =	wrdreg s18  }
0x22: {  	s15 =	sshrl.u32 s15, $0x3;
	s18 =	sadd.s32 s14, s20;
	[dreg:$0x10] =	wrdreg s16  }
0x23: {  	s24 =	sadd.s32 s17, s10;
	s5 =	sadd.s32 s5, s15;
	[dreg:$0x15] =	wrdreg s18  }
0x24: {  	s16 =	smov.u32 s22;
	s22 =	sadd.s32 s8, s25;
	[dreg:$0x19] =	wrdreg s5  }
0x25: {  	s19 =	sshrl.u32 s26, $0x3;
	s8 =	sadd.s32 s11, s25;
	[dreg:$0x1d] =	wrdreg s22  }
0x26: {  	s17 =	sadd.s32 s17, s7;
	s26 =	sadd.s32 s7, s25;
	[smem:$0x7FC] =	sst s8  }
0x27: {  	s18 =	sshrl.u32 s24, $0x3;
	s0 =	sadd.s32 s14, s19;
	[smem:$0x7FD] =	sst s26  }
0x28: {  	s17 =	sshrl.u32 s17, $0x3;
	s18 =	sadd.s32 s14, s18;
	[dreg:$0x17] =	wrdreg s0  }
0x29: {  	s31 =	simm.s32 $0x7A00;
	s14 =	sadd.s32 s14, s17;
	[dreg:$0x16] =	wrdreg s18  }
0x2a: {  	s17 =	sadd.s32 $0x1A00, s3;
	s3 =	sadd.s32 $0x2000, s3;
	[dreg:$0x18] =	wrdreg s14  }
0x2b: {  	[dreg:$0x1b] =	wrdreg s3;
	s18 =	sshrl.u32 s4, $0x2;
	s3 =	sshrl.u32 s2, $0x3  }
0x2c: {  	[dreg:$0x1a] =	wrdreg s17;
	s20 =	sadd.s32 s18, s25;
	s18 =	sadd.s32 s21, s3  }
0x2d: {  	s30 =	simm.s32 $0x8;
	s19 =	sadd.s32 $0xA, s3;
	[smem:$0x7F4] =	sst s18  }
0x2e: {  	s9 =	smov.u32 s21;
	s24 =	sadd.s32 s21, s19;
	[dreg:$0x1c] =	wrdreg s20  }
0x2f: {  	s0 =	sadd.s32 $0x14, s3;
	s5 =	sadd.s32 s16, s19;
	[smem:$0x7EC] =	sst s24  }
0x30: {  	s10 =	sadd.s32 $0x1E, s3;
	s4 =	sadd.s32 s21, s0;
	[smem:$0x7ED] =	sst s5  }
0x31: {  	s14 =	sadd.s32 $0x28, s3;
	s7 =	sadd.s32 s16, s0;
	[smem:$0x7EE] =	sst s4  }
0x32: {  	s11 =	sadd.s32 s21, s10;
	s15 =	sadd.s32 s21, s14;
	[smem:$0x7EF] =	sst s7  }
0x33: {  	s17 =	sadd.s32 s16, s14;
	s19 =	sadd.s32 s16, s3;
	[smem:$0x7F0] =	sst s11  }
0x34: {  	s3 =	sadd.s32 $0x32, s3;
	s14 =	simm.s32 $0x7E00;
	[smem:$0x7F2] =	sst s15  }
0x35: {  	s18 =	simm.s32 $0x0;
	s5 =	sadd.s32 s16, s10;
	[smem:$0x7F3] =	sst s17  }
0x36: {  	[smem:$0x7F5] =	sst s19;
	s21 =	sadd.s32 s21, s3;
	s3 =	sadd.s32 s16, s3  }
0x37: {  	s24 =	sadd.s32 $0x1E0, s2;
	s15 =	simm.s32 $0xA;
	s7 =	simm.s32 $0x7980  }
0x38: {  	s19 =	simm.s32 $0x7D00;
	s4 =	simm.s32 $0x4;
	[smem:$0x7F1] =	sst s5  }
0x39: {  	s11 =	simm.s32 $0x50;
	s10 =	simm.s32 $0x5;
	[smem:$0x7F6] =	sst s21  }
0x3a: {  	s17 =	simm.s32 $0x5000;
	[smem:$0x7F7] =	sst s3;
	s3 =	smov.u32 s12  }
0x3b: {  	[smem:$0x7F9] =	sst s24;
	s5 =	simm.s32 $0x7C00;
	s12 =	simm.s32 $0x6  }
0x3c: {  	v0 =	vimm.f32 $1.000000000e+00;
	s24 =	simm.s32 $0x5;
	s21 =	simm.s32 $0x1;
	[smem:$0x7FA] =	sst s3  }
.LBB2_1:
0x3d: {  	[smem:$0x7EB] =	sst s18  }
0x3e: {  	s2 =	rddreg [dreg:$0x1b]  }
0x3f: {  	[tilespmem:s14], [sflag:$0xA] =	stream.linear.gather [hbm4b:s2+s6], $0x2780, $0x38;
	[tilespmem:$0x1E580] =	vst v63  }
0x40: {  	_ =	swait.ge [sflag:s15], $0x2780  }
0x41: {  	[sflag:s15] =	ssyncset.done $0x0  }
0x42: {  	s1 =	rddreg [dreg:$0x1a];
	[sflag:s15] =	ssyncadd.s32 $0xFFFFD880  }
0x43: {  	[tilespmem:s6], [sflag:$0xA] =	stream.linear.gather [hbm4b:s1+s6], $0x2800, $0x38;
	[tilespmem:$0x1E580] =	vst v63  }
0x44: {  	_ =	swait.ge [sflag:s15], $0x2800  }
0x45: {  	[sflag:s15] =	ssyncset.done $0x0  }
0x46: {  	[sflag:s15] =	ssyncadd.s32 $0xFFFFD800  }
0x47: {  	[spmem:s20] =	stream.linear.scatter [tilespmem:s6], [sflag:$0xA], $0x2800, $0x38;
	[tilespmem:$0x1E580] =	vst v63  }
0x48: {  	_ =	swait.ge [sflag:s15], $0x2800  }
0x49: {  	[sflag:s15] =	ssyncset.done $0x0  }
0x4a: {  	[sflag:s15] =	ssyncadd.s32 $0xFFFFD800  }
0x4b: {  	[spmem:s22] =	stream.linear.scatter [tilespmem:s6], [sflag:$0xA], $0x2800, $0x38;
	[tilespmem:$0x1E580] =	vst v63  }
0x4c: {  	_ =	swait.ge [sflag:s15], $0x2800  }
0x4d: {  	[sflag:s15] =	ssyncset.done $0x0  }
0x4e: {  	[sflag:s15] =	ssyncadd.s32 $0xFFFFD800  }
0x4f: {  	[spmem:s23] =	stream.linear.scatter [tilespmem:s6], [sflag:$0xA], $0x2800, $0x38;
	[tilespmem:$0x1E580] =	vst v63  }
0x50: {  	_ =	swait.ge [sflag:s15], $0x2800  }
0x51: {  	[sflag:s15] =	ssyncset.done $0x0  }
0x52: {  	[sflag:s15] =	ssyncadd.s32 $0xFFFFD800  }
0x53: {  	[spmem:s28] =	stream.linear.scatter [tilespmem:s6], [sflag:$0xA], $0x2800, $0x38;
	[tilespmem:$0x1E580] =	vst v63  }
0x54: {  	_ =	swait.ge [sflag:s15], $0x2800  }
0x55: {  	[sflag:s15] =	ssyncset.done $0x0  }
0x56: {  	[sflag:s15] =	ssyncadd.s32 $0xFFFFD800  }
0x57: {  	[spmem:s3] =	stream.linear.scatter [tilespmem:s6], [sflag:$0xA], $0x2800, $0x38;
	[tilespmem:$0x1E580] =	vst v63  }
0x58: {  	_ =	swait.ge [sflag:s15], $0x2800  }
0x59: {  	[sflag:s15] =	ssyncset.done $0x0  }
0x5a: {  	[sflag:s15] =	ssyncadd.s32 $0xFFFFD800  }
0x5b: {  	[spmem:s13] =	stream.linear.scatter [tilespmem:s6], [sflag:$0xA], $0x2800, $0x38;
	[tilespmem:$0x1E580] =	vst v63  }
0x5c: {  	_ =	swait.ge [sflag:s15], $0x2800  }
0x5d: {  	[sflag:s15] =	ssyncset.done $0x0  }
0x5e: {  	[sflag:s15] =	ssyncadd.s32 $0xFFFFD800  }
0x5f: {  	[spmem:s8] =	stream.linear.scatter [tilespmem:s6], [sflag:$0xA], $0x2800, $0x38;
	[tilespmem:$0x1E580] =	vst v63  }
0x60: {  	_ =	swait.ge [sflag:s15], $0x2800  }
0x61: {  	[sflag:s15] =	ssyncset.done $0x0  }
0x62: {  	[sflag:s15] =	ssyncadd.s32 $0xFFFFD800  }
0x63: {  	[spmem:s26] =	stream.linear.scatter [tilespmem:s6], [sflag:$0xA], $0x2800, $0x38;
	[tilespmem:$0x1E580] =	vst v63  }
0x64: {  	_ =	swait.ge [sflag:s15], $0x2800  }
0x65: {  	[sflag:s15] =	ssyncset.done $0x0  }
0x66: {  	[sflag:s15] =	ssyncadd.s32 $0xFFFFD800  }
0x67: {  	[bflag:$0x0] =	sbarrier.arrive $0xFFFF  }
0x68: {  	s18 =	sld [smem:$0x7F4];
	_ =	sdelay $0x1  }
0x69: {  	s8 =	simm.s32 $0x7800;
	s20 =	sld [smem:$0x7F5]  }
0x6a: {  	[tilespmem:s8], [sflag:$0x4] =	stream.linear.gather [hbm4b:s18+s6], $0x50, $0x38;
	[tilespmem:$0x1E580] =	vst v63  }
0x6b: {  	s22 =	simm.s32 $0x7B00;
	s23 =	sld [smem:$0x7EC]  }
0x6c: {  	[tilespmem:s22], [sflag:$0x4] =	stream.linear.gather [hbm4b:s20+s6], $0x50, $0x38;
	[tilespmem:$0x1E580] =	vst v63  }
0x6d: {  	s3 =	simm.s32 $0x7880;
	s26 =	sld [smem:$0x7ED]  }
0x6e: {  	[tilespmem:s3], [sflag:$0x5] =	stream.linear.gather [hbm4b:s23+s6], $0x50, $0x38;
	[tilespmem:$0x1E580] =	vst v63  }
0x6f: {  	s1 =	simm.s32 $0x7B80;
	s0 =	sld [smem:$0x7EE]  }
0x70: {  	[tilespmem:s1], [sflag:$0x5] =	stream.linear.gather [hbm4b:s26+s6], $0x50, $0x38;
	[tilespmem:$0x1E580] =	vst v63  }
0x71: {  	s28 =	simm.s32 $0x7900;
	s1 =	sld [smem:$0x7EF]  }
0x72: {  	[tilespmem:s28], [sflag:$0x6] =	stream.linear.gather [hbm4b:s0+s6], $0x50, $0x38;
	[tilespmem:$0x1E580] =	vst v63  }
0x73: {  	_ = 	snop  }
0x74: {  	[tilespmem:s5], [sflag:$0x6] =	stream.linear.gather [hbm4b:s1+s6], $0x50, $0x38;
	[tilespmem:$0x1E580] =	vst v63  }
0x75: {  	s5 =	sld [smem:$0x7F0];
	_ =	sdelay $0x1  }
0x76: {  	s13 =	sld [smem:$0x7F1]  }
0x77: {  	[tilespmem:s7], [sflag:$0x7] =	stream.linear.gather [hbm4b:s5+s6], $0x50, $0x38;
	[tilespmem:$0x1E580] =	vst v63  }
0x78: {  	s18 =	sld [smem:$0x7F2]  }
0x79: {  	[tilespmem:s29], [sflag:$0x7] =	stream.linear.gather [hbm4b:s13+s6], $0x50, $0x38;
	[tilespmem:$0x1E580] =	vst v63  }
0x7a: {  	s20 =	sld [smem:$0x7F3]  }
0x7b: {  	[tilespmem:s31], [sflag:$0x8] =	stream.linear.gather [hbm4b:s18+s6], $0x50, $0x38;
	[tilespmem:$0x1E580] =	vst v63  }
0x7c: {  	s22 =	sld [smem:$0x7F6]  }
0x7d: {  	[tilespmem:s19], [sflag:$0x8] =	stream.linear.gather [hbm4b:s20+s6], $0x50, $0x38;
	[tilespmem:$0x1E580] =	vst v63  }
0x7e: {  	s23 =	simm.s32 $0x7A80;
	s26 =	sld [smem:$0x7F7]  }
0x7f: {  	[tilespmem:s23], [sflag:$0x9] =	stream.linear.gather [hbm4b:s22+s6], $0x50, $0x38;
	[tilespmem:$0x1E580] =	vst v63  }
0x80: {  	s29 =	simm.s32 $0x7D80  }
0x81: {  	[tilespmem:s29], [sflag:$0x9] =	stream.linear.gather [hbm4b:s26+s6], $0x50, $0x38;
	[tilespmem:$0x1E580] =	vst v63  }
0x82: {  	_ =	swait.ge [sflag:s4], $0x50  }
0x83: {  	[sflag:s4] =	ssyncset.done $0x0  }
0x84: {  	[sflag:s4] =	ssyncadd.s32 $0xFFFFFFB0  }
0x85: {  	_ =	swait.ge [sflag:s4], $0x50  }
0x86: {  	[sflag:s4] =	ssyncset.done $0x0  }
0x87: {  	[sflag:s4] =	ssyncadd.s32 $0xFFFFFFB0  }
0x88: {  	s31 =	rddreg [dreg:$0x0]  }
0x89: {  	[tilespmem:s6], [sflag:$0x1] =	stream.indirect.gather [hbm4b:s31+s11], $0x80, s8, s11, $0xb8;
	[tilespmem:$0x1E580] =	vst v63  }
0x8a: {  	_ =	swait.ge [sflag:s10], $0x50  }
0x8b: {  	[sflag:s10] =	ssyncset.done $0x0  }
0x8c: {  	[sflag:s10] =	ssyncadd.s32 $0xFFFFFFB0  }
0x8d: {  	_ =	swait.ge [sflag:s10], $0x50  }
0x8e: {  	[sflag:s10] =	ssyncset.done $0x0  }
0x8f: {  	s0 =	simm.s32 $0x2800;
	[sflag:s10] =	ssyncadd.s32 $0xFFFFFFB0  }
0x90: {  	[tilespmem:s0], [sflag:$0x2] =	stream.indirect.gather [hbm4b:s31+s11], $0x80, s3, s11, $0xb8;
	[tilespmem:$0x1E580] =	vst v63  }
0x91: {  	_ =	swait.ge [sflag:s12], $0x50  }
0x92: {  	s18 =	simm.s32 $0x3;
	[sflag:s12] =	ssyncset.done $0x0  }
0x93: {  	s20 =	simm.s32 $0x6;
	s22 =	simm.s32 $0x7;
	[sflag:s12] =	ssyncadd.s32 $0xFFFFFFB0  }
0x94: {  	s23 =	simm.s32 $0x2;
	s10 =	simm.s32 $0x9;
	_ =	swait.ge [sflag:s12], $0x50  }
0x95: {  	s0 =	smov.u32 s25;
	s3 =	simm.s32 $0x0;
	[sflag:s12] =	ssyncset.done $0x0  }
0x96: {  	s2 =	sld [smem:$0x7F9];
	[sflag:s12] =	ssyncadd.s32 $0xFFFFFFB0;
	s12 =	simm.s32 $0x4  }
0x97: {  	[tilespmem:s17], [sflag:$0x3] =	stream.indirect.gather [hbm4b:s31+s11], $0x80, s28, s11, $0xb8;
	[tilespmem:$0x1E580] =	vst v63  }
.LBB2_2:
0x98: {  	_ =	swait.ge [sflag:s21], $0x2800  }
0x99: {  	[sflag:s21] =	ssyncset.done $0x0  }
0x9a: {  	s17 =	simm.s32 $0x7B00;
	[sflag:s21] =	ssyncadd.s32 $0xFFFFD800  }
0x9b: {  	[spmem:s0] =	stream.indirect.scatter.add.f32 [tilespmem:s6], [sflag:$0xA], $0x80, s17, s11, $0xb8;
	[tilespmem:$0x1E580] =	vst v63  }
0x9c: {  	_ =	swait.ge [sflag:s15], $0x2800  }
0x9d: {  	[sflag:s15] =	ssyncset.done $0x0  }
0x9e: {  	[sflag:s15] =	ssyncadd.s32 $0xFFFFD800  }
0x9f: {  	v1 =	vld [tilespmem:$0x7B00];
	_ =	sdelay $0x7  }
0xa0: {  	[tilespmem:v1+s14+$0x0] =	vst.idx.add.f32.msk $0xffff, v0  }
0xa1: {  	v1 =	vld [tilespmem:$0x7B10];
	_ =	sdelay $0x7  }
0xa2: {  	[tilespmem:v1+s14+$0x0] =	vst.idx.add.f32.msk $0xffff, v0  }
0xa3: {  	v1 =	vld [tilespmem:$0x7B20];
	_ =	sdelay $0x7  }
0xa4: {  	[tilespmem:v1+s14+$0x0] =	vst.idx.add.f32.msk $0xffff, v0  }
0xa5: {  	v1 =	vld [tilespmem:$0x7B30];
	_ =	sdelay $0x7  }
0xa6: {  	[tilespmem:v1+s14+$0x0] =	vst.idx.add.f32.msk $0xffff, v0  }
0xa7: {  	v1 =	vld [tilespmem:$0x7B40];
	_ =	sdelay $0x6  }
0xa8: {  	s8 =	sshrl.u32 s2, $0x3  }
0xa9: {  	s31 =	simm.s32 $0x7800;
	s5 =	sadd.s32 s9, s8;
	[tilespmem:v1+s14+$0x0] =	vst.idx.add.f32.msk $0xffff, v0  }
0xaa: {  	[tilespmem:s31], [sflag:$0x4] =	stream.linear.gather [hbm4b:s5+s6], $0x50, $0x38;
	[tilespmem:$0x1E580] =	vst v63  }
0xab: {  	s8 =	sadd.s32 s16, s8  }
0xac: {  	[tilespmem:s17], [sflag:$0x4] =	stream.linear.gather [hbm4b:s8+s6], $0x50, $0x38;
	[tilespmem:$0x1E580] =	vst v63  }
0xad: {  	_ =	swait.ge [sflag:s22], $0x50  }
0xae: {  	[sflag:s22] =	ssyncset.done $0x0  }
0xaf: {  	[sflag:s22] =	ssyncadd.s32 $0xFFFFFFB0  }
0xb0: {  	_ =	swait.ge [sflag:s22], $0x50  }
0xb1: {  	[sflag:s22] =	ssyncset.done $0x0  }
0xb2: {  	[sflag:s22] =	ssyncadd.s32 $0xFFFFFFB0  }
0xb3: {  	s29 =	simm.s32 $0x7980;
	s4 =	rddreg [dreg:$0x0]  }
0xb4: {  	[tilespmem:s6], [sflag:$0x1] =	stream.indirect.gather [hbm4b:s4+s11], $0x80, s29, s11, $0xb8;
	[tilespmem:$0x1E580] =	vst v63  }
0xb5: {  	_ =	swait.ge [sflag:s23], $0x2800  }
0xb6: {  	[sflag:s23] =	ssyncset.done $0x0  }
0xb7: {  	s7 =	simm.s32 $0x7B80;
	s0 =	simm.s32 $0x2800;
	[sflag:s23] =	ssyncadd.s32 $0xFFFFD800  }
0xb8: {  	[spmem:s25] =	stream.indirect.scatter.add.f32 [tilespmem:s0], [sflag:$0xA], $0x80, s7, s11, $0xb8;
	[tilespmem:$0x1E580] =	vst v63  }
0xb9: {  	_ =	swait.ge [sflag:s15], $0x2800  }
0xba: {  	[sflag:s15] =	ssyncset.done $0x0  }
0xbb: {  	[sflag:s15] =	ssyncadd.s32 $0xFFFFD800  }
0xbc: {  	v1 =	vld [tilespmem:$0x7B80];
	_ =	sdelay $0x7  }
0xbd: {  	[tilespmem:v1+s14+$0x0] =	vst.idx.add.f32.msk $0xffff, v0  }
0xbe: {  	v1 =	vld [tilespmem:$0x7B90];
	_ =	sdelay $0x7  }
0xbf: {  	[tilespmem:v1+s14+$0x0] =	vst.idx.add.f32.msk $0xffff, v0  }
0xc0: {  	v1 =	vld [tilespmem:$0x7BA0];
	_ =	sdelay $0x7  }
0xc1: {  	[tilespmem:v1+s14+$0x0] =	vst.idx.add.f32.msk $0xffff, v0  }
0xc2: {  	v1 =	vld [tilespmem:$0x7BB0];
	_ =	sdelay $0x7  }
0xc3: {  	[tilespmem:v1+s14+$0x0] =	vst.idx.add.f32.msk $0xffff, v0  }
0xc4: {  	v1 =	vld [tilespmem:$0x7BC0];
	_ =	sdelay $0x6  }
0xc5: {  	s26 =	smov.u32 s9;
	s9 =	rddreg [dreg:$0x10]  }
0xc6: {  	s1 =	simm.s32 $0x7880;
	s13 =	rddreg [dreg:$0xf];
	s8 =	sadd.s32 s3, s9;
	[tilespmem:v1+s14+$0x0] =	vst.idx.add.f32.msk $0xffff, v0  }
0xc7: {  	[tilespmem:s1], [sflag:$0x5] =	stream.linear.gather [hbm4b:s8+s6], $0x50, $0x38;
	[tilespmem:$0x1E580] =	vst v63  }
0xc8: {  	s19 =	sadd.s32 s3, s13  }
0xc9: {  	[tilespmem:s7], [sflag:$0x5] =	stream.linear.gather [hbm4b:s19+s6], $0x50, $0x38;
	[tilespmem:$0x1E580] =	vst v63  }
0xca: {  	_ =	swait.ge [sflag:s30], $0x50  }
0xcb: {  	[sflag:s30] =	ssyncset.done $0x0  }
0xcc: {  	[sflag:s30] =	ssyncadd.s32 $0xFFFFFFB0  }
0xcd: {  	_ =	swait.ge [sflag:s30], $0x50  }
0xce: {  	[sflag:s30] =	ssyncset.done $0x0  }
0xcf: {  	s19 =	simm.s32 $0x7A00;
	[sflag:s30] =	ssyncadd.s32 $0xFFFFFFB0  }
0xd0: {  	[tilespmem:s0], [sflag:$0x2] =	stream.indirect.gather [hbm4b:s4+s11], $0x80, s19, s11, $0xb8;
	[tilespmem:$0x1E580] =	vst v63  }
0xd1: {  	_ =	swait.ge [sflag:s18], $0x2800  }
0xd2: {  	[sflag:s18] =	ssyncset.done $0x0  }
0xd3: {  	s17 =	simm.s32 $0x7C00;
	s13 =	simm.s32 $0x5000;
	[sflag:s18] =	ssyncadd.s32 $0xFFFFD800  }
0xd4: {  	[spmem:s25] =	stream.indirect.scatter.add.f32 [tilespmem:s13], [sflag:$0xA], $0x80, s17, s11, $0xb8;
	[tilespmem:$0x1E580] =	vst v63  }
0xd5: {  	_ =	swait.ge [sflag:s15], $0x2800  }
0xd6: {  	[sflag:s15] =	ssyncset.done $0x0  }
0xd7: {  	[sflag:s15] =	ssyncadd.s32 $0xFFFFD800  }
0xd8: {  	v1 =	vld [tilespmem:$0x7C00];
	_ =	sdelay $0x7  }
0xd9: {  	[tilespmem:v1+s14+$0x0] =	vst.idx.add.f32.msk $0xffff, v0  }
0xda: {  	v1 =	vld [tilespmem:$0x7C10];
	_ =	sdelay $0x7  }
0xdb: {  	[tilespmem:v1+s14+$0x0] =	vst.idx.add.f32.msk $0xffff, v0  }
0xdc: {  	v1 =	vld [tilespmem:$0x7C20];
	_ =	sdelay $0x7  }
0xdd: {  	[tilespmem:v1+s14+$0x0] =	vst.idx.add.f32.msk $0xffff, v0  }
0xde: {  	v1 =	vld [tilespmem:$0x7C30];
	_ =	sdelay $0x7  }
0xdf: {  	[tilespmem:v1+s14+$0x0] =	vst.idx.add.f32.msk $0xffff, v0  }
0xe0: {  	v1 =	vld [tilespmem:$0x7C40];
	_ =	sdelay $0x6  }
0xe1: {  	s5 =	rddreg [dreg:$0xe]  }
0xe2: {  	s7 =	rddreg [dreg:$0xd];
	s8 =	sadd.s32 s3, s5;
	[tilespmem:v1+s14+$0x0] =	vst.idx.add.f32.msk $0xffff, v0  }
0xe3: {  	[tilespmem:s28], [sflag:$0x6] =	stream.linear.gather [hbm4b:s8+s6], $0x50, $0x38;
	[tilespmem:$0x1E580] =	vst v63  }
0xe4: {  	s9 =	sadd.s32 s3, s7  }
0xe5: {  	[tilespmem:s17], [sflag:$0x6] =	stream.linear.gather [hbm4b:s9+s6], $0x50, $0x38;
	[tilespmem:$0x1E580] =	vst v63  }
0xe6: {  	_ =	swait.ge [sflag:s10], $0x50  }
0xe7: {  	[sflag:s10] =	ssyncset.done $0x0  }
0xe8: {  	[sflag:s10] =	ssyncadd.s32 $0xFFFFFFB0  }
0xe9: {  	_ =	swait.ge [sflag:s10], $0x50  }
0xea: {  	[sflag:s10] =	ssyncset.done $0x0  }
0xeb: {  	s7 =	simm.s32 $0x7A80;
	[sflag:s10] =	ssyncadd.s32 $0xFFFFFFB0  }
0xec: {  	[tilespmem:s13], [sflag:$0x3] =	stream.indirect.gather [hbm4b:s4+s11], $0x80, s7, s11, $0xb8;
	[tilespmem:$0x1E580] =	vst v63  }
0xed: {  	_ =	swait.ge [sflag:s21], $0x2800  }
0xee: {  	[sflag:s21] =	ssyncset.done $0x0  }
0xef: {  	s17 =	simm.s32 $0x7C80;
	[sflag:s21] =	ssyncadd.s32 $0xFFFFD800  }
0xf0: {  	[spmem:s25] =	stream.indirect.scatter.add.f32 [tilespmem:s6], [sflag:$0xA], $0x80, s17, s11, $0xb8;
	[tilespmem:$0x1E580] =	vst v63  }
0xf1: {  	_ =	swait.ge [sflag:s15], $0x2800  }
0xf2: {  	[sflag:s15] =	ssyncset.done $0x0  }
0xf3: {  	[sflag:s15] =	ssyncadd.s32 $0xFFFFD800  }
0xf4: {  	v1 =	vld [tilespmem:$0x7C80];
	_ =	sdelay $0x7  }
0xf5: {  	[tilespmem:v1+s14+$0x0] =	vst.idx.add.f32.msk $0xffff, v0  }
0xf6: {  	v1 =	vld [tilespmem:$0x7C90];
	_ =	sdelay $0x7  }
0xf7: {  	[tilespmem:v1+s14+$0x0] =	vst.idx.add.f32.msk $0xffff, v0  }
0xf8: {  	v1 =	vld [tilespmem:$0x7CA0];
	_ =	sdelay $0x7  }
0xf9: {  	[tilespmem:v1+s14+$0x0] =	vst.idx.add.f32.msk $0xffff, v0  }
0xfa: {  	v1 =	vld [tilespmem:$0x7CB0];
	_ =	sdelay $0x7  }
0xfb: {  	[tilespmem:v1+s14+$0x0] =	vst.idx.add.f32.msk $0xffff, v0  }
0xfc: {  	v1 =	vld [tilespmem:$0x7CC0];
	_ =	sdelay $0x6  }
0xfd: {  	s7 =	rddreg [dreg:$0xc]  }
0xfe: {  	s9 =	rddreg [dreg:$0xb];
	s8 =	sadd.s32 s3, s7;
	[tilespmem:v1+s14+$0x0] =	vst.idx.add.f32.msk $0xffff, v0  }
0xff: {  	[tilespmem:s29], [sflag:$0x7] =	stream.linear.gather [hbm4b:s8+s6], $0x50, $0x38;
	[tilespmem:$0x1E580] =	vst v63  }
0x100: {  	s9 =	sadd.s32 s3, s9  }
0x101: {  	[tilespmem:s17], [sflag:$0x7] =	stream.linear.gather [hbm4b:s9+s6], $0x50, $0x38;
	[tilespmem:$0x1E580] =	vst v63  }
0x102: {  	_ =	swait.ge [sflag:s12], $0x50  }
0x103: {  	[sflag:s12] =	ssyncset.done $0x0  }
0x104: {  	[sflag:s12] =	ssyncadd.s32 $0xFFFFFFB0  }
0x105: {  	_ =	swait.ge [sflag:s12], $0x50  }
0x106: {  	[sflag:s12] =	ssyncset.done $0x0  }
0x107: {  	[sflag:s12] =	ssyncadd.s32 $0xFFFFFFB0  }
0x108: {  	[tilespmem:s6], [sflag:$0x1] =	stream.indirect.gather [hbm4b:s4+s11], $0x80, s31, s11, $0xb8;
	[tilespmem:$0x1E580] =	vst v63  }
0x109: {  	_ =	swait.ge [sflag:s23], $0x2800  }
0x10a: {  	[sflag:s23] =	ssyncset.done $0x0  }
0x10b: {  	s17 =	simm.s32 $0x7D00;
	[sflag:s23] =	ssyncadd.s32 $0xFFFFD800  }
0x10c: {  	[spmem:s25] =	stream.indirect.scatter.add.f32 [tilespmem:s0], [sflag:$0xA], $0x80, s17, s11, $0xb8;
	[tilespmem:$0x1E580] =	vst v63  }
0x10d: {  	_ =	swait.ge [sflag:s15], $0x2800  }
0x10e: {  	[sflag:s15] =	ssyncset.done $0x0  }
0x10f: {  	[sflag:s15] =	ssyncadd.s32 $0xFFFFD800  }
0x110: {  	v1 =	vld [tilespmem:$0x7D00];
	_ =	sdelay $0x7  }
0x111: {  	[tilespmem:v1+s14+$0x0] =	vst.idx.add.f32.msk $0xffff, v0  }
0x112: {  	v1 =	vld [tilespmem:$0x7D10];
	_ =	sdelay $0x7  }
0x113: {  	[tilespmem:v1+s14+$0x0] =	vst.idx.add.f32.msk $0xffff, v0  }
0x114: {  	v1 =	vld [tilespmem:$0x7D20];
	_ =	sdelay $0x7  }
0x115: {  	[tilespmem:v1+s14+$0x0] =	vst.idx.add.f32.msk $0xffff, v0  }
0x116: {  	v1 =	vld [tilespmem:$0x7D30];
	_ =	sdelay $0x7  }
0x117: {  	[tilespmem:v1+s14+$0x0] =	vst.idx.add.f32.msk $0xffff, v0  }
0x118: {  	v1 =	vld [tilespmem:$0x7D40];
	_ =	sdelay $0x6  }
0x119: {  	s8 =	rddreg [dreg:$0xa]  }
0x11a: {  	s9 =	rddreg [dreg:$0x9];
	s8 =	sadd.s32 s3, s8;
	[tilespmem:v1+s14+$0x0] =	vst.idx.add.f32.msk $0xffff, v0  }
0x11b: {  	[tilespmem:s19], [sflag:$0x8] =	stream.linear.gather [hbm4b:s8+s6], $0x50, $0x38;
	[tilespmem:$0x1E580] =	vst v63  }
0x11c: {  	s9 =	sadd.s32 s3, s9  }
0x11d: {  	[tilespmem:s17], [sflag:$0x8] =	stream.linear.gather [hbm4b:s9+s6], $0x50, $0x38;
	[tilespmem:$0x1E580] =	vst v63  }
0x11e: {  	_ =	swait.ge [sflag:s24], $0x50  }
0x11f: {  	[sflag:s24] =	ssyncset.done $0x0  }
0x120: {  	[sflag:s24] =	ssyncadd.s32 $0xFFFFFFB0  }
0x121: {  	_ =	swait.ge [sflag:s24], $0x50  }
0x122: {  	[sflag:s24] =	ssyncset.done $0x0  }
0x123: {  	[sflag:s24] =	ssyncadd.s32 $0xFFFFFFB0  }
0x124: {  	[tilespmem:s0], [sflag:$0x2] =	stream.indirect.gather [hbm4b:s4+s11], $0x80, s1, s11, $0xb8;
	[tilespmem:$0x1E580] =	vst v63  }
0x125: {  	_ =	swait.ge [sflag:s18], $0x2800  }
0x126: {  	[sflag:s18] =	ssyncset.done $0x0  }
0x127: {  	s17 =	simm.s32 $0x7D80;
	[sflag:s18] =	ssyncadd.s32 $0xFFFFD800  }
0x128: {  	[spmem:s25] =	stream.indirect.scatter.add.f32 [tilespmem:s13], [sflag:$0xA], $0x80, s17, s11, $0xb8;
	[tilespmem:$0x1E580] =	vst v63  }
0x129: {  	_ =	swait.ge [sflag:s15], $0x2800  }
0x12a: {  	[sflag:s15] =	ssyncset.done $0x0  }
0x12b: {  	[sflag:s15] =	ssyncadd.s32 $0xFFFFD800  }
0x12c: {  	v1 =	vld [tilespmem:$0x7D80];
	_ =	sdelay $0x7  }
0x12d: {  	[tilespmem:v1+s14+$0x0] =	vst.idx.add.f32.msk $0xffff, v0  }
0x12e: {  	v1 =	vld [tilespmem:$0x7D90];
	_ =	sdelay $0x7  }
0x12f: {  	[tilespmem:v1+s14+$0x0] =	vst.idx.add.f32.msk $0xffff, v0  }
0x130: {  	v1 =	vld [tilespmem:$0x7DA0];
	_ =	sdelay $0x7  }
0x131: {  	[tilespmem:v1+s14+$0x0] =	vst.idx.add.f32.msk $0xffff, v0  }
0x132: {  	v1 =	vld [tilespmem:$0x7DB0];
	_ =	sdelay $0x7  }
0x133: {  	[tilespmem:v1+s14+$0x0] =	vst.idx.add.f32.msk $0xffff, v0  }
0x134: {  	v1 =	vld [tilespmem:$0x7DC0];
	_ =	sdelay $0x5  }
0x135: {  	p0 =	seq.s32 s3, $0x474  }
0x136: {  	s28 =	simm.s32 @!p0 $0x0;
	s8 =	rddreg [dreg:$0x8]  }
0x137: {  	s17 =	simm.s32 @!p0 $0x7A80;
	s9 =	rddreg [dreg:$0x7];
	s8 =	sadd.s32 @!p0 s3, s8;
	[tilespmem:v1+s14+$0x0] =	vst.idx.add.f32.msk $0xffff, v0  }
0x138: {  	[tilespmem:s17], [sflag:$0x9] =	stream.linear.gather @!p0 [hbm4b:s8+s28], $0x50, $0x38;
	[tilespmem:$0x1E580] =	vst v63  }
0x139: {  	s2 =	sadd.s32 $0x1E0, s2;
	s8 =	sadd.s32 @!p0 s3, s9;
	s9 =	simm.s32 @!p0 $0x7D80  }
0x13a: {  	[tilespmem:s9], [sflag:$0x9] =	stream.linear.gather @!p0 [hbm4b:s8+s28], $0x50, $0x38;
	[tilespmem:$0x1E580] =	vst v63  }
0x13b: {  	s5 =	simm.s32 $0x7C00;
	s3 =	sadd.s32 $0x3C, s3;
	_ =	swait.ge [sflag:s20], $0x50  }
0x13c: {  	s7 =	simm.s32 $0x7980;
	p0 =	sne.s32 s3, $0x4B0;
	[sflag:s20] =	ssyncset.done $0x0  }
.Ltmp0:
0x13d: {  	s29 =	simm.s32 $0x7C80;
	[sflag:s20] =	ssyncadd.s32 $0xFFFFFFB0;
	(pc) =	sbr.rel @p0 .LBB2_2-.Ltmp0, $4  }
0x13e: {  	s31 =	simm.s32 $0x7A00;
	s19 =	simm.s32 $0x7D00;
	_ =	swait.ge [sflag:s20], $0x50  }
0x13f: {  	s0 =	smov.u32 s25;
	s17 =	simm.s32 $0x5000;
	[sflag:s20] =	ssyncset.done $0x0  }
0x140: {  	s28 =	simm.s32 $0x7900;
	s9 =	smov.u32 s26;
	[sflag:s20] =	ssyncadd.s32 $0xFFFFFFB0  }
0x141: {  	[tilespmem:s13], [sflag:$0x3] =	stream.indirect.gather [hbm4b:s4+s11], $0x80, s28, s11, $0xb8;
	[tilespmem:$0x1E580] =	vst v63  }
0x142: {  	_ =	swait.ge [sflag:s21], $0x2800  }
0x143: {  	[sflag:s21] =	ssyncset.done $0x0  }
0x144: {  	s2 =	simm.s32 $0x7B00;
	[sflag:s21] =	ssyncadd.s32 $0xFFFFD800  }
0x145: {  	[spmem:s0] =	stream.indirect.scatter.add.f32 [tilespmem:s6], [sflag:$0xA], $0x80, s2, s11, $0xb8;
	[tilespmem:$0x1E580] =	vst v63  }
0x146: {  	_ =	swait.ge [sflag:s15], $0x2800  }
0x147: {  	[sflag:s15] =	ssyncset.done $0x0  }
0x148: {  	[sflag:s15] =	ssyncadd.s32 $0xFFFFD800  }
0x149: {  	v1 =	vld [tilespmem:$0x7B00];
	_ =	sdelay $0x7  }
0x14a: {  	[tilespmem:v1+s14+$0x0] =	vst.idx.add.f32.msk $0xffff, v0  }
0x14b: {  	v1 =	vld [tilespmem:$0x7B10];
	_ =	sdelay $0x7  }
0x14c: {  	[tilespmem:v1+s14+$0x0] =	vst.idx.add.f32.msk $0xffff, v0  }
0x14d: {  	v1 =	vld [tilespmem:$0x7B20];
	_ =	sdelay $0x7  }
0x14e: {  	[tilespmem:v1+s14+$0x0] =	vst.idx.add.f32.msk $0xffff, v0  }
0x14f: {  	v1 =	vld [tilespmem:$0x7B30];
	_ =	sdelay $0x7  }
0x150: {  	[tilespmem:v1+s14+$0x0] =	vst.idx.add.f32.msk $0xffff, v0  }
0x151: {  	v1 =	vld [tilespmem:$0x7B40];
	_ =	sdelay $0x7  }
0x152: {  	[tilespmem:v1+s14+$0x0] =	vst.idx.add.f32.msk $0xffff, v0  }
0x153: {  	_ =	swait.ge [sflag:s22], $0x50  }
0x154: {  	[sflag:s22] =	ssyncset.done $0x0  }
0x155: {  	[sflag:s22] =	ssyncadd.s32 $0xFFFFFFB0  }
0x156: {  	_ =	swait.ge [sflag:s22], $0x50  }
0x157: {  	[sflag:s22] =	ssyncset.done $0x0  }
0x158: {  	[sflag:s22] =	ssyncadd.s32 $0xFFFFFFB0  }
0x159: {  	s0 =	rddreg [dreg:$0x0]  }
0x15a: {  	[tilespmem:s6], [sflag:$0x1] =	stream.indirect.gather [hbm4b:s0+s11], $0x80, s7, s11, $0xb8;
	[tilespmem:$0x1E580] =	vst v63  }
0x15b: {  	_ =	swait.ge [sflag:s23], $0x2800  }
0x15c: {  	[sflag:s23] =	ssyncset.done $0x0  }
0x15d: {  	s3 =	simm.s32 $0x2800;
	s1 =	simm.s32 $0x7B80;
	[sflag:s23] =	ssyncadd.s32 $0xFFFFD800  }
0x15e: {  	[spmem:s25] =	stream.indirect.scatter.add.f32 [tilespmem:s3], [sflag:$0xA], $0x80, s1, s11, $0xb8;
	[tilespmem:$0x1E580] =	vst v63  }
0x15f: {  	_ =	swait.ge [sflag:s15], $0x2800  }
0x160: {  	[sflag:s15] =	ssyncset.done $0x0  }
0x161: {  	[sflag:s15] =	ssyncadd.s32 $0xFFFFD800  }
0x162: {  	v1 =	vld [tilespmem:$0x7B80];
	_ =	sdelay $0x7  }
0x163: {  	[tilespmem:v1+s14+$0x0] =	vst.idx.add.f32.msk $0xffff, v0  }
0x164: {  	v1 =	vld [tilespmem:$0x7B90];
	_ =	sdelay $0x7  }
0x165: {  	[tilespmem:v1+s14+$0x0] =	vst.idx.add.f32.msk $0xffff, v0  }
0x166: {  	v1 =	vld [tilespmem:$0x7BA0];
	_ =	sdelay $0x7  }
0x167: {  	[tilespmem:v1+s14+$0x0] =	vst.idx.add.f32.msk $0xffff, v0  }
0x168: {  	v1 =	vld [tilespmem:$0x7BB0];
	_ =	sdelay $0x7  }
0x169: {  	[tilespmem:v1+s14+$0x0] =	vst.idx.add.f32.msk $0xffff, v0  }
0x16a: {  	v1 =	vld [tilespmem:$0x7BC0];
	_ =	sdelay $0x7  }
0x16b: {  	[tilespmem:v1+s14+$0x0] =	vst.idx.add.f32.msk $0xffff, v0  }
0x16c: {  	_ =	swait.ge [sflag:s30], $0x50  }
0x16d: {  	[sflag:s30] =	ssyncset.done $0x0  }
0x16e: {  	[sflag:s30] =	ssyncadd.s32 $0xFFFFFFB0  }
0x16f: {  	_ =	swait.ge [sflag:s30], $0x50  }
0x170: {  	[sflag:s30] =	ssyncset.done $0x0  }
0x171: {  	[sflag:s30] =	ssyncadd.s32 $0xFFFFFFB0  }
0x172: {  	[tilespmem:s3], [sflag:$0x2] =	stream.indirect.gather [hbm4b:s0+s11], $0x80, s31, s11, $0xb8;
	[tilespmem:$0x1E580] =	vst v63  }
0x173: {  	_ =	swait.ge [sflag:s18], $0x2800  }
0x174: {  	[sflag:s18] =	ssyncset.done $0x0  }
0x175: {  	[sflag:s18] =	ssyncadd.s32 $0xFFFFD800  }
0x176: {  	[spmem:s25] =	stream.indirect.scatter.add.f32 [tilespmem:s17], [sflag:$0xA], $0x80, s5, s11, $0xb8;
	[tilespmem:$0x1E580] =	vst v63  }
0x177: {  	_ =	swait.ge [sflag:s15], $0x2800  }
0x178: {  	[sflag:s15] =	ssyncset.done $0x0  }
0x179: {  	[sflag:s15] =	ssyncadd.s32 $0xFFFFD800  }
0x17a: {  	v1 =	vld [tilespmem:$0x7C00];
	_ =	sdelay $0x7  }
0x17b: {  	[tilespmem:v1+s14+$0x0] =	vst.idx.add.f32.msk $0xffff, v0  }
0x17c: {  	v1 =	vld [tilespmem:$0x7C10];
	_ =	sdelay $0x7  }
0x17d: {  	[tilespmem:v1+s14+$0x0] =	vst.idx.add.f32.msk $0xffff, v0  }
0x17e: {  	v1 =	vld [tilespmem:$0x7C20];
	_ =	sdelay $0x7  }
0x17f: {  	[tilespmem:v1+s14+$0x0] =	vst.idx.add.f32.msk $0xffff, v0  }
0x180: {  	v1 =	vld [tilespmem:$0x7C30];
	_ =	sdelay $0x7  }
0x181: {  	[tilespmem:v1+s14+$0x0] =	vst.idx.add.f32.msk $0xffff, v0  }
0x182: {  	v1 =	vld [tilespmem:$0x7C40];
	_ =	sdelay $0x7  }
0x183: {  	[tilespmem:v1+s14+$0x0] =	vst.idx.add.f32.msk $0xffff, v0  }
0x184: {  	_ =	swait.ge [sflag:s21], $0x2800  }
0x185: {  	[sflag:s21] =	ssyncset.done $0x0  }
0x186: {  	[sflag:s21] =	ssyncadd.s32 $0xFFFFD800  }
0x187: {  	[spmem:s25] =	stream.indirect.scatter.add.f32 [tilespmem:s6], [sflag:$0xA], $0x80, s29, s11, $0xb8;
	[tilespmem:$0x1E580] =	vst v63  }
0x188: {  	_ =	swait.ge [sflag:s15], $0x2800  }
0x189: {  	[sflag:s15] =	ssyncset.done $0x0  }
0x18a: {  	[sflag:s15] =	ssyncadd.s32 $0xFFFFD800  }
0x18b: {  	v1 =	vld [tilespmem:$0x7C80];
	_ =	sdelay $0x7  }
0x18c: {  	[tilespmem:v1+s14+$0x0] =	vst.idx.add.f32.msk $0xffff, v0  }
0x18d: {  	v1 =	vld [tilespmem:$0x7C90];
	_ =	sdelay $0x7  }
0x18e: {  	[tilespmem:v1+s14+$0x0] =	vst.idx.add.f32.msk $0xffff, v0  }
0x18f: {  	v1 =	vld [tilespmem:$0x7CA0];
	_ =	sdelay $0x7  }
0x190: {  	[tilespmem:v1+s14+$0x0] =	vst.idx.add.f32.msk $0xffff, v0  }
0x191: {  	v1 =	vld [tilespmem:$0x7CB0];
	_ =	sdelay $0x7  }
0x192: {  	[tilespmem:v1+s14+$0x0] =	vst.idx.add.f32.msk $0xffff, v0  }
0x193: {  	v1 =	vld [tilespmem:$0x7CC0];
	_ =	sdelay $0x7  }
0x194: {  	[tilespmem:v1+s14+$0x0] =	vst.idx.add.f32.msk $0xffff, v0  }
0x195: {  	_ =	swait.ge [sflag:s23], $0x2800  }
0x196: {  	[sflag:s23] =	ssyncset.done $0x0  }
0x197: {  	[sflag:s23] =	ssyncadd.s32 $0xFFFFD800  }
0x198: {  	[spmem:s25] =	stream.indirect.scatter.add.f32 [tilespmem:s3], [sflag:$0xA], $0x80, s19, s11, $0xb8;
	[tilespmem:$0x1E580] =	vst v63  }
0x199: {  	_ =	swait.ge [sflag:s15], $0x2800  }
0x19a: {  	[sflag:s15] =	ssyncset.done $0x0  }
0x19b: {  	[sflag:s15] =	ssyncadd.s32 $0xFFFFD800  }
0x19c: {  	v1 =	vld [tilespmem:$0x7D00];
	_ =	sdelay $0x7  }
0x19d: {  	[tilespmem:v1+s14+$0x0] =	vst.idx.add.f32.msk $0xffff, v0  }
0x19e: {  	v1 =	vld [tilespmem:$0x7D10];
	_ =	sdelay $0x7  }
0x19f: {  	[tilespmem:v1+s14+$0x0] =	vst.idx.add.f32.msk $0xffff, v0  }
0x1a0: {  	v1 =	vld [tilespmem:$0x7D20];
	_ =	sdelay $0x7  }
0x1a1: {  	[tilespmem:v1+s14+$0x0] =	vst.idx.add.f32.msk $0xffff, v0  }
0x1a2: {  	v1 =	vld [tilespmem:$0x7D30];
	_ =	sdelay $0x7  }
0x1a3: {  	[tilespmem:v1+s14+$0x0] =	vst.idx.add.f32.msk $0xffff, v0  }
0x1a4: {  	v1 =	vld [tilespmem:$0x7D40];
	_ =	sdelay $0x7  }
0x1a5: {  	[tilespmem:v1+s14+$0x0] =	vst.idx.add.f32.msk $0xffff, v0  }
0x1a6: {  	[bflag:$0x0] =	sbarrier.arrive $0xFFFF  }
0x1a7: {  	s20 =	rddreg [dreg:$0x1c]  }
0x1a8: {  	[tilespmem:s6], [sflag:$0xA] =	stream.linear.gather [spmem:s20], $0x2800, $0x38;
	[tilespmem:$0x1E580] =	vst v63  }
0x1a9: {  	_ =	swait.ge [sflag:s15], $0x2800  }
0x1aa: {  	[sflag:s15] =	ssyncset.done $0x0  }
0x1ab: {  	s4 =	rddreg [dreg:$0x11];
	[sflag:s15] =	ssyncadd.s32 $0xFFFFD800  }
0x1ac: {  	[hbm4b:s4+s6] =	stream.linear.scatter [tilespmem:s6], [sflag:$0xA], $0x2800, $0x38;
	[tilespmem:$0x1E580] =	vst v63  }
0x1ad: {  	_ =	swait.ge [sflag:s15], $0x2800  }
0x1ae: {  	[sflag:s15] =	ssyncset.done $0x0  }
0x1af: {  	s22 =	rddreg [dreg:$0x1d];
	[sflag:s15] =	ssyncadd.s32 $0xFFFFD800  }
0x1b0: {  	[tilespmem:s6], [sflag:$0xA] =	stream.linear.gather [spmem:s22], $0x2800, $0x38;
	[tilespmem:$0x1E580] =	vst v63  }
0x1b1: {  	_ =	swait.ge [sflag:s15], $0x2800  }
0x1b2: {  	[sflag:s15] =	ssyncset.done $0x0  }
0x1b3: {  	s8 =	rddreg [dreg:$0x12];
	[sflag:s15] =	ssyncadd.s32 $0xFFFFD800  }
0x1b4: {  	[hbm4b:s8+s6] =	stream.linear.scatter [tilespmem:s6], [sflag:$0xA], $0x2800, $0x38;
	[tilespmem:$0x1E580] =	vst v63  }
0x1b5: {  	_ =	swait.ge [sflag:s15], $0x2800  }
0x1b6: {  	[sflag:s15] =	ssyncset.done $0x0  }
0x1b7: {  	s23 =	rddreg [dreg:$0x1e];
	[sflag:s15] =	ssyncadd.s32 $0xFFFFD800  }
0x1b8: {  	[tilespmem:s6], [sflag:$0xA] =	stream.linear.gather [spmem:s23], $0x2800, $0x38;
	[tilespmem:$0x1E580] =	vst v63  }
0x1b9: {  	_ =	swait.ge [sflag:s15], $0x2800  }
0x1ba: {  	[sflag:s15] =	ssyncset.done $0x0  }
0x1bb: {  	s10 =	rddreg [dreg:$0x13];
	[sflag:s15] =	ssyncadd.s32 $0xFFFFD800  }
0x1bc: {  	[hbm4b:s10+s6] =	stream.linear.scatter [tilespmem:s6], [sflag:$0xA], $0x2800, $0x38;
	[tilespmem:$0x1E580] =	vst v63  }
0x1bd: {  	_ =	swait.ge [sflag:s15], $0x2800  }
0x1be: {  	[sflag:s15] =	ssyncset.done $0x0  }
0x1bf: {  	s28 =	rddreg [dreg:$0x1f];
	[sflag:s15] =	ssyncadd.s32 $0xFFFFD800  }
0x1c0: {  	[tilespmem:s6], [sflag:$0xA] =	stream.linear.gather [spmem:s28], $0x2800, $0x38;
	[tilespmem:$0x1E580] =	vst v63  }
0x1c1: {  	_ =	swait.ge [sflag:s15], $0x2800  }
0x1c2: {  	[sflag:s15] =	ssyncset.done $0x0  }
0x1c3: {  	s12 =	rddreg [dreg:$0x14];
	[sflag:s15] =	ssyncadd.s32 $0xFFFFD800  }
0x1c4: {  	[hbm4b:s12+s6] =	stream.linear.scatter [tilespmem:s6], [sflag:$0xA], $0x2800, $0x38;
	[tilespmem:$0x1E580] =	vst v63  }
0x1c5: {  	_ =	swait.ge [sflag:s15], $0x2800  }
0x1c6: {  	s3 =	sld [smem:$0x7FA]  }
0x1c7: {  	[sflag:s15] =	ssyncset.done $0x0  }
0x1c8: {  	[sflag:s15] =	ssyncadd.s32 $0xFFFFD800  }
0x1c9: {  	[tilespmem:s6], [sflag:$0xA] =	stream.linear.gather [spmem:s3], $0x2800, $0x38;
	[tilespmem:$0x1E580] =	vst v63  }
0x1ca: {  	_ =	swait.ge [sflag:s15], $0x2800  }
0x1cb: {  	[sflag:s15] =	ssyncset.done $0x0  }
0x1cc: {  	s13 =	rddreg [dreg:$0x15];
	[sflag:s15] =	ssyncadd.s32 $0xFFFFD800  }
0x1cd: {  	[hbm4b:s13+s6] =	stream.linear.scatter [tilespmem:s6], [sflag:$0xA], $0x2800, $0x38;
	[tilespmem:$0x1E580] =	vst v63  }
0x1ce: {  	_ =	swait.ge [sflag:s15], $0x2800  }
0x1cf: {  	s13 =	sld [smem:$0x7FB]  }
0x1d0: {  	[sflag:s15] =	ssyncset.done $0x0  }
0x1d1: {  	[sflag:s15] =	ssyncadd.s32 $0xFFFFD800  }
0x1d2: {  	[tilespmem:s6], [sflag:$0xA] =	stream.linear.gather [spmem:s13], $0x2800, $0x38;
	[tilespmem:$0x1E580] =	vst v63  }
0x1d3: {  	_ =	swait.ge [sflag:s15], $0x2800  }
0x1d4: {  	[sflag:s15] =	ssyncset.done $0x0  }
0x1d5: {  	s18 =	rddreg [dreg:$0x16];
	[sflag:s15] =	ssyncadd.s32 $0xFFFFD800  }
0x1d6: {  	[hbm4b:s18+s6] =	stream.linear.scatter [tilespmem:s6], [sflag:$0xA], $0x2800, $0x38;
	[tilespmem:$0x1E580] =	vst v63  }
0x1d7: {  	_ =	swait.ge [sflag:s15], $0x2800  }
0x1d8: {  	s8 =	sld [smem:$0x7FC]  }
0x1d9: {  	[sflag:s15] =	ssyncset.done $0x0  }
0x1da: {  	[sflag:s15] =	ssyncadd.s32 $0xFFFFD800  }
0x1db: {  	[tilespmem:s6], [sflag:$0xA] =	stream.linear.gather [spmem:s8], $0x2800, $0x38;
	[tilespmem:$0x1E580] =	vst v63  }
0x1dc: {  	_ =	swait.ge [sflag:s15], $0x2800  }
0x1dd: {  	[sflag:s15] =	ssyncset.done $0x0  }
0x1de: {  	s26 =	rddreg [dreg:$0x17];
	[sflag:s15] =	ssyncadd.s32 $0xFFFFD800  }
0x1df: {  	[hbm4b:s26+s6] =	stream.linear.scatter [tilespmem:s6], [sflag:$0xA], $0x2800, $0x38;
	[tilespmem:$0x1E580] =	vst v63  }
0x1e0: {  	_ =	swait.ge [sflag:s15], $0x2800  }
0x1e1: {  	s26 =	sld [smem:$0x7FD]  }
0x1e2: {  	[sflag:s15] =	ssyncset.done $0x0  }
0x1e3: {  	[sflag:s15] =	ssyncadd.s32 $0xFFFFD800  }
0x1e4: {  	[tilespmem:s6], [sflag:$0xA] =	stream.linear.gather [spmem:s26], $0x2800, $0x38;
	[tilespmem:$0x1E580] =	vst v63  }
0x1e5: {  	_ =	swait.ge [sflag:s15], $0x2800  }
0x1e6: {  	[sflag:s15] =	ssyncset.done $0x0  }
0x1e7: {  	s0 =	rddreg [dreg:$0x18];
	[sflag:s15] =	ssyncadd.s32 $0xFFFFD800  }
0x1e8: {  	[hbm4b:s0+s6] =	stream.linear.scatter [tilespmem:s6], [sflag:$0xA], $0x2800, $0x38;
	[tilespmem:$0x1E580] =	vst v63  }
0x1e9: {  	_ =	swait.ge [sflag:s15], $0x2800  }
0x1ea: {  	s4 =	simm.s32 $0x80;
	[sflag:s15] =	ssyncset.done $0x0  }
0x1eb: {  	s10 =	simm.s32 $0x400;
	s1 =	rddreg [dreg:$0x19];
	[sflag:s15] =	ssyncadd.s32 $0xFFFFD800  }
0x1ec: {  	[hbm4b:s1+s4] =	stream.strided.scatter [tilespmem:s14], [sflag:$0xA], $0x2780, s10, s4, $0x38;
	[tilespmem:$0x1E580] =	vst v63  }
0x1ed: {  	_ =	swait.ge [sflag:s15], $0x2780  }
0x1ee: {  	s10 =	sld [smem:$0x7EB]  }
0x1ef: {  	s12 =	sld [smem:$0x7F8];
	_ =	sdelay $0x1  }
0x1f0: {  	s18 =	sadd.s32 $0x1, s10  }
0x1f1: {  	p0 =	sne.s32 s18, s12  }
.Ltmp1:
0x1f2: {  	_ = 	snop;
	(pc) =	sbr.rel @p0 .LBB2_1-.Ltmp1, $3  }
0x1f3: {  	_ =	sdelay $0x1  }
0x1f4: {  	s4 =	simm.s32 $0x4;
	[sflag:s15] =	ssyncset.done $0x0  }
0x1f5: {  	[sflag:s15] =	ssyncadd.s32 $0xFFFFD880;
	s10 =	simm.s32 $0x5;
	s12 =	simm.s32 $0x6  }
0x1f6: {  	_ =	sfence.sel $0x180000  }
0x1f7: {  	[bflag:$0x0] =	sbarrier.arrive $0xFFFF  }
0x1f8: {  	_ =	strace $0x90000047  }
0x1f9: {  	s0 =	stileid.u32;
	[bflag:$0x2] =	sbarrier.arrive $0xFFFF  }
0x1fa: {  	p0 =	sne.s32 s0, $0x0;
	s0 =	rddreg [dreg:$0x6]  }
0x1fb: {  	s0 =	sadd.s32 @!p0 $0x100000, s0  }
0x1fc: {  	[sflag:s0] =	ssyncadd.tile.s32 @!p0 $0x1;
	_ =	shalt  }
.Lfunc_end2:
_tile_overlayer_lowered:
.L_overlay_start_2:
0x1fd: {  	(tag) =	ssettag $0x2  }
0x1fe: {  	s0 =	rddreg [dreg:$0x0];
	s2 =	stileid.u32  }
0x1ff: {  	s1 =	rddreg [dreg:$0x1];
	p0 =	sne.s32 s2, $0x0  }
0x200: {  	s3 =	rddreg [dreg:$0x2];
	[bflag:$0x3] =	sbarrier.arrive $0xFFFF;
	s2 =	simm.s32 @!p0 $0x1C0A  }
0x201: {  	[timem:s3], [sflag:s2] =	dma.local @!p0 [hbm:s0], s1  }
0x202: {  	s0 =	simm.s32 @!p0 $0xA  }
0x203: {  	_ =	swait.ge @!p0 [sflag:s0], s1  }
0x204: {  	s1 =	ssub.s32 @!p0 $0x0, s1;
	[sflag:s0] =	ssyncset.done @!p0 $0x0  }
0x205: {  	[sflag:s0] =	ssyncadd.s32 @!p0 s1  }
0x206: {  	[bflag:$0x3] =	sbarrier.arrive $0xFFFF  }
0x207: {  	_ =	shalt  }

</sc_bundles>
